<compile_context>
chip_gen: v7x
topology: tpu7x:2x2x1
jax: 0.10.2.dev20260603
libtpu: 0.0.44.dev20260713+nightly
codegen_flags: <defaults>
</compile_context>

<pallas_src>
import functools

import jax
import jax.numpy as jnp
from jax import lax
from jax.experimental import pallas as pl
from jax.experimental.pallas import tpu as pltpu
from jax.experimental.pallas import tpu_sc as plsc

_NC, _NS, _L = 2, 16, 16
_NW = _NC * _NS


def _tc_add_body(a_ref, b_ref, o_ref):
    o_ref[...] = a_ref[...] + b_ref[...]


def _tc_add(x_1, x_2, row0):
    M, N = x_1.shape
    BM = 4096
    nb = row0 // BM
    return pl.pallas_call(
        _tc_add_body,
        out_shape=jax.ShapeDtypeStruct((M - row0, N), x_1.dtype),
        grid=((M - row0) // BM,),
        in_specs=[
            pl.BlockSpec((BM, N), lambda i: (i + nb, 0)),
            pl.BlockSpec((BM, N), lambda i: (i + nb, 0)),
        ],
        out_specs=pl.BlockSpec((BM, N), lambda i: (i, 0)),
    )(x_1, x_2)


@functools.cache
def _sc_add(rows, cols):
    CBR = 128
    rows_w = rows // _NW
    chunks = rows_w // CBR
    mesh = plsc.VectorSubcoreMesh(
        core_axis_name="c", subcore_axis_name="s",
        num_cores=_NC, num_subcores=_NS)

    @functools.partial(
        pl.kernel,
        out_type=jax.ShapeDtypeStruct((rows, cols), jnp.float32),
        mesh=mesh,
        scratch_types=[
            pltpu.VMEM((CBR, cols), jnp.float32),
            pltpu.VMEM((CBR, cols), jnp.float32),
        ],
    )
    def body(x1_hbm, x2_hbm, out_hbm, a_v, b_v):
        wid = lax.axis_index("s") * _NC + lax.axis_index("c")
        base = wid * rows_w

        @pl.loop(0, chunks)
        def _chunk(g):
            row0 = base + g * CBR
            pltpu.sync_copy(x1_hbm.at[pl.ds(row0, CBR)], a_v)
            pltpu.sync_copy(x2_hbm.at[pl.ds(row0, CBR)], b_v)

            @pl.loop(0, CBR, unroll=2)
            def _row(r):
                for cc in range(cols // _L):
                    sl = pl.ds(cc * _L, _L)
                    plsc.addupdate(a_v.at[r, sl], b_v[r, sl])

            pltpu.sync_copy(a_v, out_hbm.at[pl.ds(row0, CBR)])

    return body


def kernel(x_1, x_2):
    M, N = x_1.shape
    R = 61440
    sc_out = _sc_add(R, N)(x_1, x_2)
    tc_out = _tc_add(x_1, x_2, R)
    return jnp.concatenate([sc_out, tc_out], axis=0)

# --- scband reference (transcript-rebuilt; emitter-appended) ---
"""Pipeline reference for scband-sparse-aggregator-5325759447228 (READ-ONLY COPY).

The authoritative reference and input builder live on the scoring server;
editing this copy changes nothing except your own understanding.
"""

import jax, jax.numpy as jnp
import numpy as np


def setup_inputs(seed: int = 0) -> dict:
    key = jax.random.key(seed)
    k1, k2 = jax.random.split(key)
    x_1 = jax.random.normal(k1, (262144, 256), dtype=jnp.float32)
    x_2 = jax.random.normal(k2, (262144, 256), dtype=jnp.float32)
    return {"x_1": x_1, "x_2": x_2}


def reference(x_1, x_2):
    # Dense path of SparseAggregator.forward: both inputs are plain tensors,
    # so the module directly returns self.agg(x_1, x_2).
    # aggregator_factory = 'sum' (no block_factory attr -> proj_1/proj_2 are Identity),
    # so agg is an elementwise sum aggregator merging the two equal-channel streams.
    return x_1 + x_2

if __name__ == "__main__":
    import jax
    _d = setup_inputs()
    print(jax.jit(kernel)(*tuple(_d.values())))

</pallas_src>

<mosaic_0001>
#map = affine_map<(d0, d1) -> (0, 0)>
module attributes {stable_mosaic.version = 14 : i64} {
  func.func @body(%arg0: i32, %arg1: i32, %arg2: memref<262144x256xf32, #tpu.memory_space<hbm>>, %arg3: memref<262144x256xf32, #tpu.memory_space<hbm>>, %arg4: memref<61440x256xf32, #tpu.memory_space<hbm>>, %arg5: memref<128x256xf32, #tpu.memory_space<vmem>>, %arg6: memref<128x256xf32, #tpu.memory_space<vmem>>) attributes {dimension_semantics = [#tpu.dimension_semantics<core_parallel>, #tpu.dimension_semantics<subcore_parallel>], iteration_bounds = array<i64: 2, 16>, scalar_prefetch = 0 : i64, scratch_operands = 2 : i64, tpu.core_type = #tpu.core_type<sc_vector_subcore>, window_params = [{transform_indices = #map}, {transform_indices = #map}, {transform_indices = #map}]} {
    %mul3A = arith.constant 2 : i32
    %mul3A_0 = arith.muli %arg1, %mul3A : i32
    %add3A = arith.addi %mul3A_0, %arg0 : i32
    %mul3A_1 = arith.constant 1920 : i32
    %mul3A_2 = arith.muli %add3A, %mul3A_1 : i32
    %scan3A = arith.constant 0 : i32
    %scan3A_3 = arith.constant 15 : i32
    %scan3A_4 = arith.addi %scan3A, %scan3A_3 : i32
    %scan3A_5 = arith.constant 1 : i32
    scf.for %scan3A_7 = %scan3A to %scan3A_4 step %scan3A_5  : i32 {
      %mul3A_8 = arith.constant 1 : i32
      %mul3A_9 = arith.muli %scan3A_7, %mul3A_8 : i32
      %add3A_10 = arith.constant 0 : i32
      %add3A_11 = arith.addi %add3A_10, %mul3A_9 : i32
      %mul3A_12 = arith.constant 128 : i32
      %mul3A_13 = arith.muli %add3A_11, %mul3A_12 : i32
      %add3A_14 = arith.addi %mul3A_2, %mul3A_13 : i32
      "tpu.region"() ({
        %run_scoped3A = tpu.sem_alloc : memref<!tpu.dma_semaphore, #tpu.memory_space<semaphore_mem>>
        %dma_start3A = arith.constant 0 : i32
        %dma_start3A_20 = tpu.memref_slice %arg2[%add3A_14, %dma_start3A] : memref<262144x256xf32, #tpu.memory_space<hbm>> -> memref<128x256xf32, #tpu.memory_space<hbm>>
        %dma_start3A_21 = arith.constant 0 : i32
        %dma_start3A_22 = tpu.memref_slice %arg2[%add3A_14, %dma_start3A_21] : memref<262144x256xf32, #tpu.memory_space<hbm>> -> memref<128x256xf32, #tpu.memory_space<hbm>>
        tpu.enqueue_dma source(%dma_start3A_22 : memref<128x256xf32, #tpu.memory_space<hbm>>) target(%arg5 : memref<128x256xf32, #tpu.memory_space<vmem>>) target_semaphore(%run_scoped3A : memref<!tpu.dma_semaphore, #tpu.memory_space<semaphore_mem>>)
        %dma_wait3A = arith.constant 0 : i32
        %dma_wait3A_23 = tpu.memref_slice %arg2[%add3A_14, %dma_wait3A] : memref<262144x256xf32, #tpu.memory_space<hbm>> -> memref<128x256xf32, #tpu.memory_space<hbm>>
        %dma_wait3A_24 = arith.constant 0 : i32
        %dma_wait3A_25 = tpu.memref_slice %arg2[%add3A_14, %dma_wait3A_24] : memref<262144x256xf32, #tpu.memory_space<hbm>> -> memref<128x256xf32, #tpu.memory_space<hbm>>
        tpu.wait_dma2 semaphore(%run_scoped3A : memref<!tpu.dma_semaphore, #tpu.memory_space<semaphore_mem>>) src(%dma_wait3A_25 : memref<128x256xf32, #tpu.memory_space<hbm>>) dst(%arg5 : memref<128x256xf32, #tpu.memory_space<vmem>>)
        tpu.yield
      }) : () -> ()
      "tpu.region"() ({
        %run_scoped3A = tpu.sem_alloc : memref<!tpu.dma_semaphore, #tpu.memory_space<semaphore_mem>>
        %dma_start3A = arith.constant 0 : i32
        %dma_start3A_20 = tpu.memref_slice %arg3[%add3A_14, %dma_start3A] : memref<262144x256xf32, #tpu.memory_space<hbm>> -> memref<128x256xf32, #tpu.memory_space<hbm>>
        %dma_start3A_21 = arith.constant 0 : i32
        %dma_start3A_22 = tpu.memref_slice %arg3[%add3A_14, %dma_start3A_21] : memref<262144x256xf32, #tpu.memory_space<hbm>> -> memref<128x256xf32, #tpu.memory_space<hbm>>
        tpu.enqueue_dma source(%dma_start3A_22 : memref<128x256xf32, #tpu.memory_space<hbm>>) target(%arg6 : memref<128x256xf32, #tpu.memory_space<vmem>>) target_semaphore(%run_scoped3A : memref<!tpu.dma_semaphore, #tpu.memory_space<semaphore_mem>>)
        %dma_wait3A = arith.constant 0 : i32
        %dma_wait3A_23 = tpu.memref_slice %arg3[%add3A_14, %dma_wait3A] : memref<262144x256xf32, #tpu.memory_space<hbm>> -> memref<128x256xf32, #tpu.memory_space<hbm>>
        %dma_wait3A_24 = arith.constant 0 : i32
        %dma_wait3A_25 = tpu.memref_slice %arg3[%add3A_14, %dma_wait3A_24] : memref<262144x256xf32, #tpu.memory_space<hbm>> -> memref<128x256xf32, #tpu.memory_space<hbm>>
        tpu.wait_dma2 semaphore(%run_scoped3A : memref<!tpu.dma_semaphore, #tpu.memory_space<semaphore_mem>>) src(%dma_wait3A_25 : memref<128x256xf32, #tpu.memory_space<hbm>>) dst(%arg6 : memref<128x256xf32, #tpu.memory_space<vmem>>)
        tpu.yield
      }) : () -> ()
      %scan3A_15 = arith.constant 0 : i32
      %scan3A_16 = arith.constant 128 : i32
      %scan3A_17 = arith.addi %scan3A_15, %scan3A_16 : i32
      %scan3A_18 = arith.constant 2 : i32
      scf.for %scan3A_20 = %scan3A_15 to %scan3A_17 step %scan3A_18  : i32 {
        %mul3A_21 = arith.constant 1 : i32
        %mul3A_22 = arith.muli %scan3A_20, %mul3A_21 : i32
        %add3A_23 = arith.constant 0 : i32
        %add3A_24 = arith.addi %add3A_23, %mul3A_22 : i32
        %get3A = arith.index_cast %add3A_24 : i32 to index
        %get3A_25 = arith.constant 0 : index
        %get3A_26 = tpu.vector_load %arg6[%get3A, %get3A_25] {strides = array<i32>} : memref<128x256xf32, #tpu.memory_space<vmem>>, vector<1x16xf32>,
        %get3A_27 = vector.shape_cast %get3A_26 : vector<1x16xf32> to vector<16xf32>
        %swap3A = arith.index_cast %add3A_24 : i32 to index
        %swap3A_28 = arith.constant 0 : index
        %swap3A_29 = tpu.vector_load %arg5[%swap3A, %swap3A_28] {strides = array<i32>} : memref<128x256xf32, #tpu.memory_space<vmem>>, vector<1x16xf32>,
        %swap3A_30 = vector.shape_cast %swap3A_29 : vector<1x16xf32> to vector<16xf32>
        %swap3A_31 = vector.shape_cast %get3A_27 : vector<16xf32> to vector<1x16xf32>
        tpu.vector_store %arg5[%swap3A, %swap3A_28], %swap3A_31 {add = true, strides = array<i32>} : memref<128x256xf32, #tpu.memory_space<vmem>>, vector<1x16xf32>,
        %get3A_32 = arith.index_cast %add3A_24 : i32 to index
        %get3A_33 = arith.constant 16 : index
        %get3A_34 = tpu.vector_load %arg6[%get3A_32, %get3A_33] {strides = array<i32>} : memref<128x256xf32, #tpu.memory_space<vmem>>, vector<1x16xf32>,
        %get3A_35 = vector.shape_cast %get3A_34 : vector<1x16xf32> to vector<16xf32>
        %swap3A_36 = arith.index_cast %add3A_24 : i32 to index
        %swap3A_37 = arith.constant 16 : index
        %swap3A_38 = tpu.vector_load %arg5[%swap3A_36, %swap3A_37] {strides = array<i32>} : memref<128x256xf32, #tpu.memory_space<vmem>>, vector<1x16xf32>,
        %swap3A_39 = vector.shape_cast %swap3A_38 : vector<1x16xf32> to vector<16xf32>
        %swap3A_40 = vector.shape_cast %get3A_35 : vector<16xf32> to vector<1x16xf32>
        tpu.vector_store %arg5[%swap3A_36, %swap3A_37], %swap3A_40 {add = true, strides = array<i32>} : memref<128x256xf32, #tpu.memory_space<vmem>>, vector<1x16xf32>,
        %get3A_41 = arith.index_cast %add3A_24 : i32 to index
        %get3A_42 = arith.constant 32 : index
        %get3A_43 = tpu.vector_load %arg6[%get3A_41, %get3A_42] {strides = array<i32>} : memref<128x256xf32, #tpu.memory_space<vmem>>, vector<1x16xf32>,
        %get3A_44 = vector.shape_cast %get3A_43 : vector<1x16xf32> to vector<16xf32>
        %swap3A_45 = arith.index_cast %add3A_24 : i32 to index
        %swap3A_46 = arith.constant 32 : index
        %swap3A_47 = tpu.vector_load %arg5[%swap3A_45, %swap3A_46] {strides = array<i32>} : memref<128x256xf32, #tpu.memory_space<vmem>>, vector<1x16xf32>,
        %swap3A_48 = vector.shape_cast %swap3A_47 : vector<1x16xf32> to vector<16xf32>
        %swap3A_49 = vector.shape_cast %get3A_44 : vector<16xf32> to vector<1x16xf32>
        tpu.vector_store %arg5[%swap3A_45, %swap3A_46], %swap3A_49 {add = true, strides = array<i32>} : memref<128x256xf32, #tpu.memory_space<vmem>>, vector<1x16xf32>,
        %get3A_50 = arith.index_cast %add3A_24 : i32 to index
        %get3A_51 = arith.constant 48 : index
        %get3A_52 = tpu.vector_load %arg6[%get3A_50, %get3A_51] {strides = array<i32>} : memref<128x256xf32, #tpu.memory_space<vmem>>, vector<1x16xf32>,
        %get3A_53 = vector.shape_cast %get3A_52 : vector<1x16xf32> to vector<16xf32>
        %swap3A_54 = arith.index_cast %add3A_24 : i32 to index
        %swap3A_55 = arith.constant 48 : index
        %swap3A_56 = tpu.vector_load %arg5[%swap3A_54, %swap3A_55] {strides = array<i32>} : memref<128x256xf32, #tpu.memory_space<vmem>>, vector<1x16xf32>,
        %swap3A_57 = vector.shape_cast %swap3A_56 : vector<1x16xf32> to vector<16xf32>
        %swap3A_58 = vector.shape_cast %get3A_53 : vector<16xf32> to vector<1x16xf32>
        tpu.vector_store %arg5[%swap3A_54, %swap3A_55], %swap3A_58 {add = true, strides = array<i32>} : memref<128x256xf32, #tpu.memory_space<vmem>>, vector<1x16xf32>,
        %get3A_59 = arith.index_cast %add3A_24 : i32 to index
        %get3A_60 = arith.constant 64 : index
        %get3A_61 = tpu.vector_load %arg6[%get3A_59, %get3A_60] {strides = array<i32>} : memref<128x256xf32, #tpu.memory_space<vmem>>, vector<1x16xf32>,
        %get3A_62 = vector.shape_cast %get3A_61 : vector<1x16xf32> to vector<16xf32>
        %swap3A_63 = arith.index_cast %add3A_24 : i32 to index
        %swap3A_64 = arith.constant 64 : index
        %swap3A_65 = tpu.vector_load %arg5[%swap3A_63, %swap3A_64] {strides = array<i32>} : memref<128x256xf32, #tpu.memory_space<vmem>>, vector<1x16xf32>,
        %swap3A_66 = vector.shape_cast %swap3A_65 : vector<1x16xf32> to vector<16xf32>
        %swap3A_67 = vector.shape_cast %get3A_62 : vector<16xf32> to vector<1x16xf32>
        tpu.vector_store %arg5[%swap3A_63, %swap3A_64], %swap3A_67 {add = true, strides = array<i32>} : memref<128x256xf32, #tpu.memory_space<vmem>>, vector<1x16xf32>,
        %get3A_68 = arith.index_cast %add3A_24 : i32 to index
        %get3A_69 = arith.constant 80 : index
        %get3A_70 = tpu.vector_load %arg6[%get3A_68, %get3A_69] {strides = array<i32>} : memref<128x256xf32, #tpu.memory_space<vmem>>, vector<1x16xf32>,
        %get3A_71 = vector.shape_cast %get3A_70 : vector<1x16xf32> to vector<16xf32>
        %swap3A_72 = arith.index_cast %add3A_24 : i32 to index
        %swap3A_73 = arith.constant 80 : index
        %swap3A_74 = tpu.vector_load %arg5[%swap3A_72, %swap3A_73] {strides = array<i32>} : memref<128x256xf32, #tpu.memory_space<vmem>>, vector<1x16xf32>,
        %swap3A_75 = vector.shape_cast %swap3A_74 : vector<1x16xf32> to vector<16xf32>
        %swap3A_76 = vector.shape_cast %get3A_71 : vector<16xf32> to vector<1x16xf32>
        tpu.vector_store %arg5[%swap3A_72, %swap3A_73], %swap3A_76 {add = true, strides = array<i32>} : memref<128x256xf32, #tpu.memory_space<vmem>>, vector<1x16xf32>,
        %get3A_77 = arith.index_cast %add3A_24 : i32 to index
        %get3A_78 = arith.constant 96 : index
        %get3A_79 = tpu.vector_load %arg6[%get3A_77, %get3A_78] {strides = array<i32>} : memref<128x256xf32, #tpu.memory_space<vmem>>, vector<1x16xf32>,
        %get3A_80 = vector.shape_cast %get3A_79 : vector<1x16xf32> to vector<16xf32>
        %swap3A_81 = arith.index_cast %add3A_24 : i32 to index
        %swap3A_82 = arith.constant 96 : index
        %swap3A_83 = tpu.vector_load %arg5[%swap3A_81, %swap3A_82] {strides = array<i32>} : memref<128x256xf32, #tpu.memory_space<vmem>>, vector<1x16xf32>,
        %swap3A_84 = vector.shape_cast %swap3A_83 : vector<1x16xf32> to vector<16xf32>
        %swap3A_85 = vector.shape_cast %get3A_80 : vector<16xf32> to vector<1x16xf32>
        tpu.vector_store %arg5[%swap3A_81, %swap3A_82], %swap3A_85 {add = true, strides = array<i32>} : memref<128x256xf32, #tpu.memory_space<vmem>>, vector<1x16xf32>,
        %get3A_86 = arith.index_cast %add3A_24 : i32 to index
        %get3A_87 = arith.constant 112 : index
        %get3A_88 = tpu.vector_load %arg6[%get3A_86, %get3A_87] {strides = array<i32>} : memref<128x256xf32, #tpu.memory_space<vmem>>, vector<1x16xf32>,
        %get3A_89 = vector.shape_cast %get3A_88 : vector<1x16xf32> to vector<16xf32>
        %swap3A_90 = arith.index_cast %add3A_24 : i32 to index
        %swap3A_91 = arith.constant 112 : index
        %swap3A_92 = tpu.vector_load %arg5[%swap3A_90, %swap3A_91] {strides = array<i32>} : memref<128x256xf32, #tpu.memory_space<vmem>>, vector<1x16xf32>,
        %swap3A_93 = vector.shape_cast %swap3A_92 : vector<1x16xf32> to vector<16xf32>
        %swap3A_94 = vector.shape_cast %get3A_89 : vector<16xf32> to vector<1x16xf32>
        tpu.vector_store %arg5[%swap3A_90, %swap3A_91], %swap3A_94 {add = true, strides = array<i32>} : memref<128x256xf32, #tpu.memory_space<vmem>>, vector<1x16xf32>,
        %get3A_95 = arith.index_cast %add3A_24 : i32 to index
        %get3A_96 = arith.constant 128 : index
        %get3A_97 = tpu.vector_load %arg6[%get3A_95, %get3A_96] {strides = array<i32>} : memref<128x256xf32, #tpu.memory_space<vmem>>, vector<1x16xf32>,
        %get3A_98 = vector.shape_cast %get3A_97 : vector<1x16xf32> to vector<16xf32>
        %swap3A_99 = arith.index_cast %add3A_24 : i32 to index
        %swap3A_100 = arith.constant 128 : index
        %swap3A_101 = tpu.vector_load %arg5[%swap3A_99, %swap3A_100] {strides = array<i32>} : memref<128x256xf32, #tpu.memory_space<vmem>>, vector<1x16xf32>,
        %swap3A_102 = vector.shape_cast %swap3A_101 : vector<1x16xf32> to vector<16xf32>
        %swap3A_103 = vector.shape_cast %get3A_98 : vector<16xf32> to vector<1x16xf32>
        tpu.vector_store %arg5[%swap3A_99, %swap3A_100], %swap3A_103 {add = true, strides = array<i32>} : memref<128x256xf32, #tpu.memory_space<vmem>>, vector<1x16xf32>,
        %get3A_104 = arith.index_cast %add3A_24 : i32 to index
        %get3A_105 = arith.constant 144 : index
        %get3A_106 = tpu.vector_load %arg6[%get3A_104, %get3A_105] {strides = array<i32>} : memref<128x256xf32, #tpu.memory_space<vmem>>, vector<1x16xf32>,
        %get3A_107 = vector.shape_cast %get3A_106 : vector<1x16xf32> to vector<16xf32>
        %swap3A_108 = arith.index_cast %add3A_24 : i32 to index
        %swap3A_109 = arith.constant 144 : index
        %swap3A_110 = tpu.vector_load %arg5[%swap3A_108, %swap3A_109] {strides = array<i32>} : memref<128x256xf32, #tpu.memory_space<vmem>>, vector<1x16xf32>,
        %swap3A_111 = vector.shape_cast %swap3A_110 : vector<1x16xf32> to vector<16xf32>
        %swap3A_112 = vector.shape_cast %get3A_107 : vector<16xf32> to vector<1x16xf32>
        tpu.vector_store %arg5[%swap3A_108, %swap3A_109], %swap3A_112 {add = true, strides = array<i32>} : memref<128x256xf32, #tpu.memory_space<vmem>>, vector<1x16xf32>,
        %get3A_113 = arith.index_cast %add3A_24 : i32 to index
        %get3A_114 = arith.constant 160 : index
        %get3A_115 = tpu.vector_load %arg6[%get3A_113, %get3A_114] {strides = array<i32>} : memref<128x256xf32, #tpu.memory_space<vmem>>, vector<1x16xf32>,
        %get3A_116 = vector.shape_cast %get3A_115 : vector<1x16xf32> to vector<16xf32>
        %swap3A_117 = arith.index_cast %add3A_24 : i32 to index
        %swap3A_118 = arith.constant 160 : index
        %swap3A_119 = tpu.vector_load %arg5[%swap3A_117, %swap3A_118] {strides = array<i32>} : memref<128x256xf32, #tpu.memory_space<vmem>>, vector<1x16xf32>,
        %swap3A_120 = vector.shape_cast %swap3A_119 : vector<1x16xf32> to vector<16xf32>
        %swap3A_121 = vector.shape_cast %get3A_116 : vector<16xf32> to vector<1x16xf32>
        tpu.vector_store %arg5[%swap3A_117, %swap3A_118], %swap3A_121 {add = true, strides = array<i32>} : memref<128x256xf32, #tpu.memory_space<vmem>>, vector<1x16xf32>,
        %get3A_122 = arith.index_cast %add3A_24 : i32 to index
        %get3A_123 = arith.constant 176 : index
        %get3A_124 = tpu.vector_load %arg6[%get3A_122, %get3A_123] {strides = array<i32>} : memref<128x256xf32, #tpu.memory_space<vmem>>, vector<1x16xf32>,
        %get3A_125 = vector.shape_cast %get3A_124 : vector<1x16xf32> to vector<16xf32>
        %swap3A_126 = arith.index_cast %add3A_24 : i32 to index
        %swap3A_127 = arith.constant 176 : index
        %swap3A_128 = tpu.vector_load %arg5[%swap3A_126, %swap3A_127] {strides = array<i32>} : memref<128x256xf32, #tpu.memory_space<vmem>>, vector<1x16xf32>,
        %swap3A_129 = vector.shape_cast %swap3A_128 : vector<1x16xf32> to vector<16xf32>
        %swap3A_130 = vector.shape_cast %get3A_125 : vector<16xf32> to vector<1x16xf32>
        tpu.vector_store %arg5[%swap3A_126, %swap3A_127], %swap3A_130 {add = true, strides = array<i32>} : memref<128x256xf32, #tpu.memory_space<vmem>>, vector<1x16xf32>,
        %get3A_131 = arith.index_cast %add3A_24 : i32 to index
        %get3A_132 = arith.constant 192 : index
        %get3A_133 = tpu.vector_load %arg6[%get3A_131, %get3A_132] {strides = array<i32>} : memref<128x256xf32, #tpu.memory_space<vmem>>, vector<1x16xf32>,
        %get3A_134 = vector.shape_cast %get3A_133 : vector<1x16xf32> to vector<16xf32>
        %swap3A_135 = arith.index_cast %add3A_24 : i32 to index
        %swap3A_136 = arith.constant 192 : index
        %swap3A_137 = tpu.vector_load %arg5[%swap3A_135, %swap3A_136] {strides = array<i32>} : memref<128x256xf32, #tpu.memory_space<vmem>>, vector<1x16xf32>,
        %swap3A_138 = vector.shape_cast %swap3A_137 : vector<1x16xf32> to vector<16xf32>
        %swap3A_139 = vector.shape_cast %get3A_134 : vector<16xf32> to vector<1x16xf32>
        tpu.vector_store %arg5[%swap3A_135, %swap3A_136], %swap3A_139 {add = true, strides = array<i32>} : memref<128x256xf32, #tpu.memory_space<vmem>>, vector<1x16xf32>,
        %get3A_140 = arith.index_cast %add3A_24 : i32 to index
        %get3A_141 = arith.constant 208 : index
        %get3A_142 = tpu.vector_load %arg6[%get3A_140, %get3A_141] {strides = array<i32>} : memref<128x256xf32, #tpu.memory_space<vmem>>, vector<1x16xf32>,
        %get3A_143 = vector.shape_cast %get3A_142 : vector<1x16xf32> to vector<16xf32>
        %swap3A_144 = arith.index_cast %add3A_24 : i32 to index
        %swap3A_145 = arith.constant 208 : index
        %swap3A_146 = tpu.vector_load %arg5[%swap3A_144, %swap3A_145] {strides = array<i32>} : memref<128x256xf32, #tpu.memory_space<vmem>>, vector<1x16xf32>,
        %swap3A_147 = vector.shape_cast %swap3A_146 : vector<1x16xf32> to vector<16xf32>
        %swap3A_148 = vector.shape_cast %get3A_143 : vector<16xf32> to vector<1x16xf32>
        tpu.vector_store %arg5[%swap3A_144, %swap3A_145], %swap3A_148 {add = true, strides = array<i32>} : memref<128x256xf32, #tpu.memory_space<vmem>>, vector<1x16xf32>,
        %get3A_149 = arith.index_cast %add3A_24 : i32 to index
        %get3A_150 = arith.constant 224 : index
        %get3A_151 = tpu.vector_load %arg6[%get3A_149, %get3A_150] {strides = array<i32>} : memref<128x256xf32, #tpu.memory_space<vmem>>, vector<1x16xf32>,
        %get3A_152 = vector.shape_cast %get3A_151 : vector<1x16xf32> to vector<16xf32>
        %swap3A_153 = arith.index_cast %add3A_24 : i32 to index
        %swap3A_154 = arith.constant 224 : index
        %swap3A_155 = tpu.vector_load %arg5[%swap3A_153, %swap3A_154] {strides = array<i32>} : memref<128x256xf32, #tpu.memory_space<vmem>>, vector<1x16xf32>,
        %swap3A_156 = vector.shape_cast %swap3A_155 : vector<1x16xf32> to vector<16xf32>
        %swap3A_157 = vector.shape_cast %get3A_152 : vector<16xf32> to vector<1x16xf32>
        tpu.vector_store %arg5[%swap3A_153, %swap3A_154], %swap3A_157 {add = true, strides = array<i32>} : memref<128x256xf32, #tpu.memory_space<vmem>>, vector<1x16xf32>,
        %get3A_158 = arith.index_cast %add3A_24 : i32 to index
        %get3A_159 = arith.constant 240 : index
        %get3A_160 = tpu.vector_load %arg6[%get3A_158, %get3A_159] {strides = array<i32>} : memref<128x256xf32, #tpu.memory_space<vmem>>, vector<1x16xf32>,
        %get3A_161 = vector.shape_cast %get3A_160 : vector<1x16xf32> to vector<16xf32>
        %swap3A_162 = arith.index_cast %add3A_24 : i32 to index
        %swap3A_163 = arith.constant 240 : index
        %swap3A_164 = tpu.vector_load %arg5[%swap3A_162, %swap3A_163] {strides = array<i32>} : memref<128x256xf32, #tpu.memory_space<vmem>>, vector<1x16xf32>,
        %swap3A_165 = vector.shape_cast %swap3A_164 : vector<1x16xf32> to vector<16xf32>
        %swap3A_166 = vector.shape_cast %get3A_161 : vector<16xf32> to vector<1x16xf32>
        tpu.vector_store %arg5[%swap3A_162, %swap3A_163], %swap3A_166 {add = true, strides = array<i32>} : memref<128x256xf32, #tpu.memory_space<vmem>>, vector<1x16xf32>,
        %scan3A_167 = arith.constant 1 : i32
        %scan3A_168 = arith.addi %scan3A_20, %scan3A_167 : i32
        %mul3A_169 = arith.constant 1 : i32
        %mul3A_170 = arith.muli %scan3A_168, %mul3A_169 : i32
        %add3A_171 = arith.constant 0 : i32
        %add3A_172 = arith.addi %add3A_171, %mul3A_170 : i32
        %get3A_173 = arith.index_cast %add3A_172 : i32 to index
        %get3A_174 = arith.constant 0 : index
        %get3A_175 = tpu.vector_load %arg6[%get3A_173, %get3A_174] {strides = array<i32>} : memref<128x256xf32, #tpu.memory_space<vmem>>, vector<1x16xf32>,
        %get3A_176 = vector.shape_cast %get3A_175 : vector<1x16xf32> to vector<16xf32>
        %swap3A_177 = arith.index_cast %add3A_172 : i32 to index
        %swap3A_178 = arith.constant 0 : index
        %swap3A_179 = tpu.vector_load %arg5[%swap3A_177, %swap3A_178] {strides = array<i32>} : memref<128x256xf32, #tpu.memory_space<vmem>>, vector<1x16xf32>,
        %swap3A_180 = vector.shape_cast %swap3A_179 : vector<1x16xf32> to vector<16xf32>
        %swap3A_181 = vector.shape_cast %get3A_176 : vector<16xf32> to vector<1x16xf32>
        tpu.vector_store %arg5[%swap3A_177, %swap3A_178], %swap3A_181 {add = true, strides = array<i32>} : memref<128x256xf32, #tpu.memory_space<vmem>>, vector<1x16xf32>,
        %get3A_182 = arith.index_cast %add3A_172 : i32 to index
        %get3A_183 = arith.constant 16 : index
        %get3A_184 = tpu.vector_load %arg6[%get3A_182, %get3A_183] {strides = array<i32>} : memref<128x256xf32, #tpu.memory_space<vmem>>, vector<1x16xf32>,
        %get3A_185 = vector.shape_cast %get3A_184 : vector<1x16xf32> to vector<16xf32>
        %swap3A_186 = arith.index_cast %add3A_172 : i32 to index
        %swap3A_187 = arith.constant 16 : index
        %swap3A_188 = tpu.vector_load %arg5[%swap3A_186, %swap3A_187] {strides = array<i32>} : memref<128x256xf32, #tpu.memory_space<vmem>>, vector<1x16xf32>,
        %swap3A_189 = vector.shape_cast %swap3A_188 : vector<1x16xf32> to vector<16xf32>
        %swap3A_190 = vector.shape_cast %get3A_185 : vector<16xf32> to vector<1x16xf32>
        tpu.vector_store %arg5[%swap3A_186, %swap3A_187], %swap3A_190 {add = true, strides = array<i32>} : memref<128x256xf32, #tpu.memory_space<vmem>>, vector<1x16xf32>,
        %get3A_191 = arith.index_cast %add3A_172 : i32 to index
        %get3A_192 = arith.constant 32 : index
        %get3A_193 = tpu.vector_load %arg6[%get3A_191, %get3A_192] {strides = array<i32>} : memref<128x256xf32, #tpu.memory_space<vmem>>, vector<1x16xf32>,
        %get3A_194 = vector.shape_cast %get3A_193 : vector<1x16xf32> to vector<16xf32>
        %swap3A_195 = arith.index_cast %add3A_172 : i32 to index
        %swap3A_196 = arith.constant 32 : index
        %swap3A_197 = tpu.vector_load %arg5[%swap3A_195, %swap3A_196] {strides = array<i32>} : memref<128x256xf32, #tpu.memory_space<vmem>>, vector<1x16xf32>,
        %swap3A_198 = vector.shape_cast %swap3A_197 : vector<1x16xf32> to vector<16xf32>
        %swap3A_199 = vector.shape_cast %get3A_194 : vector<16xf32> to vector<1x16xf32>
        tpu.vector_store %arg5[%swap3A_195, %swap3A_196], %swap3A_199 {add = true, strides = array<i32>} : memref<128x256xf32, #tpu.memory_space<vmem>>, vector<1x16xf32>,
        %get3A_200 = arith.index_cast %add3A_172 : i32 to index
        %get3A_201 = arith.constant 48 : index
        %get3A_202 = tpu.vector_load %arg6[%get3A_200, %get3A_201] {strides = array<i32>} : memref<128x256xf32, #tpu.memory_space<vmem>>, vector<1x16xf32>,
        %get3A_203 = vector.shape_cast %get3A_202 : vector<1x16xf32> to vector<16xf32>
        %swap3A_204 = arith.index_cast %add3A_172 : i32 to index
        %swap3A_205 = arith.constant 48 : index
        %swap3A_206 = tpu.vector_load %arg5[%swap3A_204, %swap3A_205] {strides = array<i32>} : memref<128x256xf32, #tpu.memory_space<vmem>>, vector<1x16xf32>,
        %swap3A_207 = vector.shape_cast %swap3A_206 : vector<1x16xf32> to vector<16xf32>
        %swap3A_208 = vector.shape_cast %get3A_203 : vector<16xf32> to vector<1x16xf32>
        tpu.vector_store %arg5[%swap3A_204, %swap3A_205], %swap3A_208 {add = true, strides = array<i32>} : memref<128x256xf32, #tpu.memory_space<vmem>>, vector<1x16xf32>,
        %get3A_209 = arith.index_cast %add3A_172 : i32 to index
        %get3A_210 = arith.constant 64 : index
        %get3A_211 = tpu.vector_load %arg6[%get3A_209, %get3A_210] {strides = array<i32>} : memref<128x256xf32, #tpu.memory_space<vmem>>, vector<1x16xf32>,
        %get3A_212 = vector.shape_cast %get3A_211 : vector<1x16xf32> to vector<16xf32>
        %swap3A_213 = arith.index_cast %add3A_172 : i32 to index
        %swap3A_214 = arith.constant 64 : index
        %swap3A_215 = tpu.vector_load %arg5[%swap3A_213, %swap3A_214] {strides = array<i32>} : memref<128x256xf32, #tpu.memory_space<vmem>>, vector<1x16xf32>,
        %swap3A_216 = vector.shape_cast %swap3A_215 : vector<1x16xf32> to vector<16xf32>
        %swap3A_217 = vector.shape_cast %get3A_212 : vector<16xf32> to vector<1x16xf32>
        tpu.vector_store %arg5[%swap3A_213, %swap3A_214], %swap3A_217 {add = true, strides = array<i32>} : memref<128x256xf32, #tpu.memory_space<vmem>>, vector<1x16xf32>,
        %get3A_218 = arith.index_cast %add3A_172 : i32 to index
        %get3A_219 = arith.constant 80 : index
        %get3A_220 = tpu.vector_load %arg6[%get3A_218, %get3A_219] {strides = array<i32>} : memref<128x256xf32, #tpu.memory_space<vmem>>, vector<1x16xf32>,
        %get3A_221 = vector.shape_cast %get3A_220 : vector<1x16xf32> to vector<16xf32>
        %swap3A_222 = arith.index_cast %add3A_172 : i32 to index
        %swap3A_223 = arith.constant 80 : index
        %swap3A_224 = tpu.vector_load %arg5[%swap3A_222, %swap3A_223] {strides = array<i32>} : memref<128x256xf32, #tpu.memory_space<vmem>>, vector<1x16xf32>,
        %swap3A_225 = vector.shape_cast %swap3A_224 : vector<1x16xf32> to vector<16xf32>
        %swap3A_226 = vector.shape_cast %get3A_221 : vector<16xf32> to vector<1x16xf32>
        tpu.vector_store %arg5[%swap3A_222, %swap3A_223], %swap3A_226 {add = true, strides = array<i32>} : memref<128x256xf32, #tpu.memory_space<vmem>>, vector<1x16xf32>,
        %get3A_227 = arith.index_cast %add3A_172 : i32 to index
        %get3A_228 = arith.constant 96 : index
        %get3A_229 = tpu.vector_load %arg6[%get3A_227, %get3A_228] {strides = array<i32>} : memref<128x256xf32, #tpu.memory_space<vmem>>, vector<1x16xf32>,
        %get3A_230 = vector.shape_cast %get3A_229 : vector<1x16xf32> to vector<16xf32>
        %swap3A_231 = arith.index_cast %add3A_172 : i32 to index
        %swap3A_232 = arith.constant 96 : index
        %swap3A_233 = tpu.vector_load %arg5[%swap3A_231, %swap3A_232] {strides = array<i32>} : memref<128x256xf32, #tpu.memory_space<vmem>>, vector<1x16xf32>,
        %swap3A_234 = vector.shape_cast %swap3A_233 : vector<1x16xf32> to vector<16xf32>
        %swap3A_235 = vector.shape_cast %get3A_230 : vector<16xf32> to vector<1x16xf32>
        tpu.vector_store %arg5[%swap3A_231, %swap3A_232], %swap3A_235 {add = true, strides = array<i32>} : memref<128x256xf32, #tpu.memory_space<vmem>>, vector<1x16xf32>,
        %get3A_236 = arith.index_cast %add3A_172 : i32 to index
        %get3A_237 = arith.constant 112 : index
        %get3A_238 = tpu.vector_load %arg6[%get3A_236, %get3A_237] {strides = array<i32>} : memref<128x256xf32, #tpu.memory_space<vmem>>, vector<1x16xf32>,
        %get3A_239 = vector.shape_cast %get3A_238 : vector<1x16xf32> to vector<16xf32>
        %swap3A_240 = arith.index_cast %add3A_172 : i32 to index
        %swap3A_241 = arith.constant 112 : index
        %swap3A_242 = tpu.vector_load %arg5[%swap3A_240, %swap3A_241] {strides = array<i32>} : memref<128x256xf32, #tpu.memory_space<vmem>>, vector<1x16xf32>,
        %swap3A_243 = vector.shape_cast %swap3A_242 : vector<1x16xf32> to vector<16xf32>
        %swap3A_244 = vector.shape_cast %get3A_239 : vector<16xf32> to vector<1x16xf32>
        tpu.vector_store %arg5[%swap3A_240, %swap3A_241], %swap3A_244 {add = true, strides = array<i32>} : memref<128x256xf32, #tpu.memory_space<vmem>>, vector<1x16xf32>,
        %get3A_245 = arith.index_cast %add3A_172 : i32 to index
        %get3A_246 = arith.constant 128 : index
        %get3A_247 = tpu.vector_load %arg6[%get3A_245, %get3A_246] {strides = array<i32>} : memref<128x256xf32, #tpu.memory_space<vmem>>, vector<1x16xf32>,
        %get3A_248 = vector.shape_cast %get3A_247 : vector<1x16xf32> to vector<16xf32>
        %swap3A_249 = arith.index_cast %add3A_172 : i32 to index
        %swap3A_250 = arith.constant 128 : index
        %swap3A_251 = tpu.vector_load %arg5[%swap3A_249, %swap3A_250] {strides = array<i32>} : memref<128x256xf32, #tpu.memory_space<vmem>>, vector<1x16xf32>,
        %swap3A_252 = vector.shape_cast %swap3A_251 : vector<1x16xf32> to vector<16xf32>
        %swap3A_253 = vector.shape_cast %get3A_248 : vector<16xf32> to vector<1x16xf32>
        tpu.vector_store %arg5[%swap3A_249, %swap3A_250], %swap3A_253 {add = true, strides = array<i32>} : memref<128x256xf32, #tpu.memory_space<vmem>>, vector<1x16xf32>,
        %get3A_254 = arith.index_cast %add3A_172 : i32 to index
        %get3A_255 = arith.constant 144 : index
        %get3A_256 = tpu.vector_load %arg6[%get3A_254, %get3A_255] {strides = array<i32>} : memref<128x256xf32, #tpu.memory_space<vmem>>, vector<1x16xf32>,
        %get3A_257 = vector.shape_cast %get3A_256 : vector<1x16xf32> to vector<16xf32>
        %swap3A_258 = arith.index_cast %add3A_172 : i32 to index
        %swap3A_259 = arith.constant 144 : index
        %swap3A_260 = tpu.vector_load %arg5[%swap3A_258, %swap3A_259] {strides = array<i32>} : memref<128x256xf32, #tpu.memory_space<vmem>>, vector<1x16xf32>,
        %swap3A_261 = vector.shape_cast %swap3A_260 : vector<1x16xf32> to vector<16xf32>
        %swap3A_262 = vector.shape_cast %get3A_257 : vector<16xf32> to vector<1x16xf32>
        tpu.vector_store %arg5[%swap3A_258, %swap3A_259], %swap3A_262 {add = true, strides = array<i32>} : memref<128x256xf32, #tpu.memory_space<vmem>>, vector<1x16xf32>,
        %get3A_263 = arith.index_cast %add3A_172 : i32 to index
        %get3A_264 = arith.constant 160 : index
        %get3A_265 = tpu.vector_load %arg6[%get3A_263, %get3A_264] {strides = array<i32>} : memref<128x256xf32, #tpu.memory_space<vmem>>, vector<1x16xf32>,
        %get3A_266 = vector.shape_cast %get3A_265 : vector<1x16xf32> to vector<16xf32>
        %swap3A_267 = arith.index_cast %add3A_172 : i32 to index
        %swap3A_268 = arith.constant 160 : index
        %swap3A_269 = tpu.vector_load %arg5[%swap3A_267, %swap3A_268] {strides = array<i32>} : memref<128x256xf32, #tpu.memory_space<vmem>>, vector<1x16xf32>,
        %swap3A_270 = vector.shape_cast %swap3A_269 : vector<1x16xf32> to vector<16xf32>
        %swap3A_271 = vector.shape_cast %get3A_266 : vector<16xf32> to vector<1x16xf32>
        tpu.vector_store %arg5[%swap3A_267, %swap3A_268], %swap3A_271 {add = true, strides = array<i32>} : memref<128x256xf32, #tpu.memory_space<vmem>>, vector<1x16xf32>,
        %get3A_272 = arith.index_cast %add3A_172 : i32 to index
        %get3A_273 = arith.constant 176 : index
        %get3A_274 = tpu.vector_load %arg6[%get3A_272, %get3A_273] {strides = array<i32>} : memref<128x256xf32, #tpu.memory_space<vmem>>, vector<1x16xf32>,
        %get3A_275 = vector.shape_cast %get3A_274 : vector<1x16xf32> to vector<16xf32>
        %swap3A_276 = arith.index_cast %add3A_172 : i32 to index
        %swap3A_277 = arith.constant 176 : index
        %swap3A_278 = tpu.vector_load %arg5[%swap3A_276, %swap3A_277] {strides = array<i32>} : memref<128x256xf32, #tpu.memory_space<vmem>>, vector<1x16xf32>,
        %swap3A_279 = vector.shape_cast %swap3A_278 : vector<1x16xf32> to vector<16xf32>
        %swap3A_280 = vector.shape_cast %get3A_275 : vector<16xf32> to vector<1x16xf32>
        tpu.vector_store %arg5[%swap3A_276, %swap3A_277], %swap3A_280 {add = true, strides = array<i32>} : memref<128x256xf32, #tpu.memory_space<vmem>>, vector<1x16xf32>,
        %get3A_281 = arith.index_cast %add3A_172 : i32 to index
        %get3A_282 = arith.constant 192 : index
        %get3A_283 = tpu.vector_load %arg6[%get3A_281, %get3A_282] {strides = array<i32>} : memref<128x256xf32, #tpu.memory_space<vmem>>, vector<1x16xf32>,
        %get3A_284 = vector.shape_cast %get3A_283 : vector<1x16xf32> to vector<16xf32>
        %swap3A_285 = arith.index_cast %add3A_172 : i32 to index
        %swap3A_286 = arith.constant 192 : index
        %swap3A_287 = tpu.vector_load %arg5[%swap3A_285, %swap3A_286] {strides = array<i32>} : memref<128x256xf32, #tpu.memory_space<vmem>>, vector<1x16xf32>,
        %swap3A_288 = vector.shape_cast %swap3A_287 : vector<1x16xf32> to vector<16xf32>
        %swap3A_289 = vector.shape_cast %get3A_284 : vector<16xf32> to vector<1x16xf32>
        tpu.vector_store %arg5[%swap3A_285, %swap3A_286], %swap3A_289 {add = true, strides = array<i32>} : memref<128x256xf32, #tpu.memory_space<vmem>>, vector<1x16xf32>,
        %get3A_290 = arith.index_cast %add3A_172 : i32 to index
        %get3A_291 = arith.constant 208 : index
        %get3A_292 = tpu.vector_load %arg6[%get3A_290, %get3A_291] {strides = array<i32>} : memref<128x256xf32, #tpu.memory_space<vmem>>, vector<1x16xf32>,
        %get3A_293 = vector.shape_cast %get3A_292 : vector<1x16xf32> to vector<16xf32>
        %swap3A_294 = arith.index_cast %add3A_172 : i32 to index
        %swap3A_295 = arith.constant 208 : index
        %swap3A_296 = tpu.vector_load %arg5[%swap3A_294, %swap3A_295] {strides = array<i32>} : memref<128x256xf32, #tpu.memory_space<vmem>>, vector<1x16xf32>,
        %swap3A_297 = vector.shape_cast %swap3A_296 : vector<1x16xf32> to vector<16xf32>
        %swap3A_298 = vector.shape_cast %get3A_293 : vector<16xf32> to vector<1x16xf32>
        tpu.vector_store %arg5[%swap3A_294, %swap3A_295], %swap3A_298 {add = true, strides = array<i32>} : memref<128x256xf32, #tpu.memory_space<vmem>>, vector<1x16xf32>,
        %get3A_299 = arith.index_cast %add3A_172 : i32 to index
        %get3A_300 = arith.constant 224 : index
        %get3A_301 = tpu.vector_load %arg6[%get3A_299, %get3A_300] {strides = array<i32>} : memref<128x256xf32, #tpu.memory_space<vmem>>, vector<1x16xf32>,
        %get3A_302 = vector.shape_cast %get3A_301 : vector<1x16xf32> to vector<16xf32>
        %swap3A_303 = arith.index_cast %add3A_172 : i32 to index
        %swap3A_304 = arith.constant 224 : index
        %swap3A_305 = tpu.vector_load %arg5[%swap3A_303, %swap3A_304] {strides = array<i32>} : memref<128x256xf32, #tpu.memory_space<vmem>>, vector<1x16xf32>,
        %swap3A_306 = vector.shape_cast %swap3A_305 : vector<1x16xf32> to vector<16xf32>
        %swap3A_307 = vector.shape_cast %get3A_302 : vector<16xf32> to vector<1x16xf32>
        tpu.vector_store %arg5[%swap3A_303, %swap3A_304], %swap3A_307 {add = true, strides = array<i32>} : memref<128x256xf32, #tpu.memory_space<vmem>>, vector<1x16xf32>,
        %get3A_308 = arith.index_cast %add3A_172 : i32 to index
        %get3A_309 = arith.constant 240 : index
        %get3A_310 = tpu.vector_load %arg6[%get3A_308, %get3A_309] {strides = array<i32>} : memref<128x256xf32, #tpu.memory_space<vmem>>, vector<1x16xf32>,
        %get3A_311 = vector.shape_cast %get3A_310 : vector<1x16xf32> to vector<16xf32>
        %swap3A_312 = arith.index_cast %add3A_172 : i32 to index
        %swap3A_313 = arith.constant 240 : index
        %swap3A_314 = tpu.vector_load %arg5[%swap3A_312, %swap3A_313] {strides = array<i32>} : memref<128x256xf32, #tpu.memory_space<vmem>>, vector<1x16xf32>,
        %swap3A_315 = vector.shape_cast %swap3A_314 : vector<1x16xf32> to vector<16xf32>
        %swap3A_316 = vector.shape_cast %get3A_311 : vector<16xf32> to vector<1x16xf32>
        tpu.vector_store %arg5[%swap3A_312, %swap3A_313], %swap3A_316 {add = true, strides = array<i32>} : memref<128x256xf32, #tpu.memory_space<vmem>>, vector<1x16xf32>,
      }
      %scan3A_19 = arith.constant 128 : i32
      "tpu.region"() ({
        %run_scoped3A = tpu.sem_alloc : memref<!tpu.dma_semaphore, #tpu.memory_space<semaphore_mem>>
        %dma_start3A = arith.constant 0 : i32
        %dma_start3A_20 = tpu.memref_slice %arg4[%add3A_14, %dma_start3A] : memref<61440x256xf32, #tpu.memory_space<hbm>> -> memref<128x256xf32, #tpu.memory_space<hbm>>
        %dma_start3A_21 = arith.constant 0 : i32
        %dma_start3A_22 = tpu.memref_slice %arg4[%add3A_14, %dma_start3A_21] : memref<61440x256xf32, #tpu.memory_space<hbm>> -> memref<128x256xf32, #tpu.memory_space<hbm>>
        tpu.enqueue_dma source(%arg5 : memref<128x256xf32, #tpu.memory_space<vmem>>) target(%dma_start3A_22 : memref<128x256xf32, #tpu.memory_space<hbm>>) target_semaphore(%run_scoped3A : memref<!tpu.dma_semaphore, #tpu.memory_space<semaphore_mem>>)
        %dma_wait3A = arith.constant 0 : i32
        %dma_wait3A_23 = tpu.memref_slice %arg4[%add3A_14, %dma_wait3A] : memref<61440x256xf32, #tpu.memory_space<hbm>> -> memref<128x256xf32, #tpu.memory_space<hbm>>
        %dma_wait3A_24 = arith.constant 0 : i32
        %dma_wait3A_25 = tpu.memref_slice %arg4[%add3A_14, %dma_wait3A_24] : memref<61440x256xf32, #tpu.memory_space<hbm>> -> memref<128x256xf32, #tpu.memory_space<hbm>>
        tpu.wait_dma2 semaphore(%run_scoped3A : memref<!tpu.dma_semaphore, #tpu.memory_space<semaphore_mem>>) src(%arg5 : memref<128x256xf32, #tpu.memory_space<vmem>>) dst(%dma_wait3A_25 : memref<128x256xf32, #tpu.memory_space<hbm>>)
        tpu.yield
      }) : () -> ()
    }
    %scan3A_6 = arith.constant 15 : i32
    return
  }
}

module attributes {stable_mosaic.version = 14 : i64} {
  func.func @_tc_add_body(%arg0: i32, %arg1: memref<4096x256xf32, #tpu.memory_space<vmem>>, %arg2: memref<4096x256xf32, #tpu.memory_space<vmem>>, %arg3: memref<4096x256xf32, #tpu.memory_space<vmem>>) attributes {dimension_semantics = [#tpu.dimension_semantics<arbitrary>], iteration_bounds = array<i64: 49>, scalar_prefetch = 0 : i64, scratch_operands = 0 : i64, tpu.core_type = #tpu.core_type<tc>, window_params = [{transform_indices = @transform_0, window_bounds = array<i64: 4096, 256>}, {transform_indices = @transform_1, window_bounds = array<i64: 4096, 256>}, {transform_indices = @transform_2, window_bounds = array<i64: 4096, 256>}]} {
    %get3A = arith.constant 0 : index
    %get3A_0 = arith.constant 0 : index
    %get3A_1 = vector.load %arg1[%get3A, %get3A_0] : memref<4096x256xf32, #tpu.memory_space<vmem>>, vector<4096x256xf32>
    %get3A_2 = arith.constant 0 : index
    %get3A_3 = arith.constant 0 : index
    %get3A_4 = vector.load %arg2[%get3A_2, %get3A_3] : memref<4096x256xf32, #tpu.memory_space<vmem>>, vector<4096x256xf32>
    %add3A = arith.addf %get3A_1, %get3A_4 : vector<4096x256xf32>
    %swap3A = arith.constant 0 : index
    %swap3A_5 = arith.constant 0 : index
    %swap3A_6 = vector.load %arg3[%swap3A, %swap3A_5] : memref<4096x256xf32, #tpu.memory_space<vmem>>, vector<4096x256xf32>
    tpu.vector_store %arg3[%swap3A, %swap3A_5], %add3A {strides = array<i32>} : memref<4096x256xf32, #tpu.memory_space<vmem>>, vector<4096x256xf32>,
    return
  }
  func.func @transform_0(%arg0: i32) -> (i32, i32) {
    %add3A = arith.constant 15 : i32
    %add3A_0 = arith.addi %arg0, %add3A : i32
    %c0_i32 = arith.constant 0 : i32
    %c0_i32_1 = arith.constant 0 : i32
    return %add3A_0, %c0_i32 : i32, i32
  }
  func.func @transform_1(%arg0: i32) -> (i32, i32) {
    %add3A = arith.constant 15 : i32
    %add3A_0 = arith.addi %arg0, %add3A : i32
    %c0_i32 = arith.constant 0 : i32
    %c0_i32_1 = arith.constant 0 : i32
    return %add3A_0, %c0_i32 : i32, i32
  }
  func.func @transform_2(%arg0: i32) -> (i32, i32) {
    %c0_i32 = arith.constant 0 : i32
    %c0_i32_0 = arith.constant 0 : i32
    return %arg0, %c0_i32 : i32, i32
  }
}

</mosaic_0001>

<sc_bundles>
// kernel: kernel.4.cloned.1.call-start
scs
__scs_entry_jumppad:
0x0: {  	(pc) =	sbr.rel $0x88, $3  }
0x1: {  	(tag) =	ssettag $0x0;
	lr =	simm.s32 $0x1  }
0x2: {  	[smem:$0x3F9F] =	sst lr;
	_ =	strace $0xD0000000  }
0x3: {  	_ = 	snop  }
0x4: {  	_ = 	snop  }
0x5: {  	_ = 	snop  }
0x6: {  	_ = 	snop  }
0x7: {  	_ = 	snop  }
__scs_overlays_trampoline_lowered:
0x8: {  	[smem:$0x3FAE] =	sst s0  }
0x9: {  	[smem:$0x3FAF] =	sst s1  }
0xa: {  	[smem:$0x3FB0] =	sst s2  }
0xb: {  	[smem:$0x3FB1] =	sst s3  }
0xc: {  	[smem:$0x3FB2] =	sst s4  }
0xd: {  	[smem:$0x3FB3] =	sst s5  }
0xe: {  	[smem:$0x3FB4] =	sst s6  }
0xf: {  	[smem:$0x3FB5] =	sst s7  }
0x10: {  	[smem:$0x3FB6] =	sst s8  }
0x11: {  	[smem:$0x3FB7] =	sst s9;
	s0 =	simm.s32 @!p0 $0x0  }
0x12: {  	s1 =	sld [smem:$0x3F9D];
	s0 =	simm.s32 @p0 $0x1  }
0x13: {  	[smem:$0x3FB8] =	sst s0;
	s0 =	simm.s32 @!p1 $0x0  }
0x14: {  	s2 =	sld [smem:$0x3F9C];
	s0 =	simm.s32 @p1 $0x1  }
0x15: {  	[smem:$0x3FB9] =	sst s0;
	s0 =	simm.s32 @!p2 $0x0  }
0x16: {  	s3 =	sld [smem:$0x3FDB];
	s0 =	simm.s32 @p2 $0x1  }
0x17: {  	s4 =	simm.s32 $0x1BF5;
	[smem:$0x3FBB] =	sst s0  }
0x18: {  	s0 =	sld [smem:$0x3F9E];
	_ =	swait.ge [sflag:s4], $0x0  }
0x19: {  	s7 =	sld [smem:$0x3F9F]  }
0x1a: {  	s8 =	sadd.s32 $0xFFFFE003, lr  }
0x1b: {  	s9 =	sadd.s32 $0xFFFFFEF7, lr;
	s5 =	simm.s32 $0xFFFFFFFF;
	p2 =	slt.u32 s8, $0xFFFFF086  }
0x1c: {  	p1 =	slt.u32 s9, $0xF7A;
	s5 =	simm.s32 @!p2 $0x0  }
0x1d: {  	s5 =	simm.s32 @p1 $0x1;
	p0 =	seq.s32 s7, s2  }
0x1e: {  	s7 =	smul.u32 @!p0 $0xF7A, s2;
	p2 =	seq.s32 @!p0 s5, $0x0  }
0x1f: {  	s9 =	smul.u32 $0xF7A, s1;
	s8 =	simm.s32 @!p0 $0x1BF5;
	p2 =	por !p2, p0  }
0x20: {  	[sflag:s8] =	ssyncset.s32 @!p0 $0xFFFFF086;
	s6 =	sadd.s32 @!p0 s3, s7;
	s7 =	simm.s32 @!p0 $0x108  }
0x21: {  	s3 =	sadd.s32 s3, s9;
	s6 =	sadd.s32 @!p0 $0x88, s6;
	s7 =	simm.s32 @p2 $0x1082  }
0x22: {  	[simem:s7], [sflag:s8] =	dma.local @!p0 [hbm:s6], $0xF7A  }
0x23: {  	s9 =	sor.u32 $0xD0000000, s2;
	s6 =	simm.s32 $0x108;
	_ =	swait.ge @!p0 [sflag:s8], $0x0  }
0x24: {  	s3 =	sadd.s32 $0x88, s3;
	s6 =	simm.s32 @!p1 $0x1082;
	[sflag:s4] =	ssyncset.s32 $0xFFFFF086  }
0x25: {  	[simem:s6], [sflag:s4] =	dma.local [hbm:s3], $0xF7A  }
0x26: {  	[smem:$0x3F9F] =	sst s1;
	(tag) =	ssettag s2;
	_ =	strace s9  }
0x27: {  	s1 =	sld [smem:$0x3FAF]  }
0x28: {  	s2 =	sld [smem:$0x3FB0]  }
0x29: {  	s4 =	sld [smem:$0x3FB2]  }
0x2a: {  	p0 =	seq.s32 s5, $0x0;
	s5 =	sld [smem:$0x3FB3]  }
0x2b: {  	s6 =	sld [smem:$0x3FB4]  }
0x2c: {  	s7 =	sld [smem:$0x3FB5]  }
0x2d: {  	s3 =	simm.s32 $0x108;
	s8 =	sld [smem:$0x3FB6]  }
0x2e: {  	s3 =	simm.s32 @!p0 $0x1082;
	s9 =	sld [smem:$0x3FB7]  }
0x2f: {  	lr =	sadd.s32 s0, s3;
	s0 =	sld [smem:$0x3FAE]  }
0x30: {  	s3 =	sld [smem:$0x3FB1]  }
0x31: {  	[smem:$0x3FBA] =	sst s10  }
0x32: {  	s10 =	sld [smem:$0x3FB8];
	_ =	sdelay $0x3  }
0x33: {  	p0 =	seq.s32 s10, $0x1;
	s10 =	sld [smem:$0x3FBA];
	_ =	sdelay $0x3  }
0x34: {  	[smem:$0x3FBA] =	sst s10  }
0x35: {  	s10 =	sld [smem:$0x3FB9];
	_ =	sdelay $0x3  }
0x36: {  	p1 =	seq.s32 s10, $0x1;
	s10 =	sld [smem:$0x3FBA];
	_ =	sdelay $0x3  }
0x37: {  	[smem:$0x3FBA] =	sst s10  }
0x38: {  	s10 =	sld [smem:$0x3FBB]  }
0x39: {  	_ = 	snop;
	(pc) =	sbr.ind lr, $3  }
0x3a: {  	_ = 	snop  }
0x3b: {  	_ = 	snop  }
0x3c: {  	p2 =	seq.s32 s10, $0x1;
	s10 =	sld [smem:$0x3FBA]  }
0x3d: {  	_ =	shalt  }
0x3e: {  	_ =	shalt  }
0x3f: {  	_ =	shalt  }
0x40: {  	_ =	shalt  }
0x41: {  	_ =	shalt  }
0x42: {  	_ =	shalt  }
0x43: {  	_ =	shalt  }
0x44: {  	_ =	shalt  }
0x45: {  	_ =	shalt  }
0x46: {  	_ =	shalt  }
0x47: {  	_ =	shalt  }
0x48: {  	_ =	shalt  }
0x49: {  	_ =	shalt  }
0x4a: {  	_ =	shalt  }
0x4b: {  	_ =	shalt  }
0x4c: {  	_ =	shalt  }
0x4d: {  	_ =	shalt  }
0x4e: {  	_ =	shalt  }
0x4f: {  	_ =	shalt  }
0x50: {  	_ =	shalt  }
0x51: {  	_ =	shalt  }
0x52: {  	_ =	shalt  }
0x53: {  	_ =	shalt  }
0x54: {  	_ =	shalt  }
0x55: {  	_ =	shalt  }
0x56: {  	_ =	shalt  }
0x57: {  	_ =	shalt  }
0x58: {  	_ =	shalt  }
0x59: {  	_ =	shalt  }
0x5a: {  	_ =	shalt  }
0x5b: {  	_ =	shalt  }
0x5c: {  	_ =	shalt  }
0x5d: {  	_ =	shalt  }
0x5e: {  	_ =	shalt  }
0x5f: {  	_ =	shalt  }
0x60: {  	_ =	shalt  }
0x61: {  	_ =	shalt  }
0x62: {  	_ =	shalt  }
0x63: {  	_ =	shalt  }
0x64: {  	_ =	shalt  }
0x65: {  	_ =	shalt  }
0x66: {  	_ =	shalt  }
0x67: {  	_ =	shalt  }
0x68: {  	_ =	shalt  }
0x69: {  	_ =	shalt  }
0x6a: {  	_ =	shalt  }
0x6b: {  	_ =	shalt  }
0x6c: {  	_ =	shalt  }
0x6d: {  	_ =	shalt  }
0x6e: {  	_ =	shalt  }
0x6f: {  	_ =	shalt  }
0x70: {  	_ =	shalt  }
0x71: {  	_ =	shalt  }
0x72: {  	_ =	shalt  }
0x73: {  	_ =	shalt  }
0x74: {  	_ =	shalt  }
0x75: {  	_ =	shalt  }
0x76: {  	_ =	shalt  }
0x77: {  	_ =	shalt  }
0x78: {  	_ =	shalt  }
0x79: {  	_ =	shalt  }
0x7a: {  	_ =	shalt  }
0x7b: {  	_ =	shalt  }
0x7c: {  	_ =	shalt  }
0x7d: {  	_ =	shalt  }
0x7e: {  	_ =	shalt  }
0x7f: {  	_ =	shalt  }
0x80: {  	_ =	shalt  }
0x81: {  	_ =	shalt  }
0x82: {  	_ =	shalt  }
0x83: {  	_ =	shalt  }
0x84: {  	_ =	shalt  }
0x85: {  	_ =	shalt  }
0x86: {  	_ =	shalt  }
0x87: {  	_ =	shalt  }
.Lfunc_end0:
.L_simem_size_0:
called_computation_lowered:
.L_overlay_start_0:
0x88: {  	s2 =	sld [smem:$0x3FD9]  }
0x89: {  	s3 =	sld [smem:$0x3FFE];
	_ =	sdelay $0x1  }
0x8a: {  	s1 =	srdreg.scid  }
0x8b: {  	s0 =	sand.u32 $0x1, s1  }
0x8c: {  	s17 =	sshll.u32 s0, $0xA;
	s2 =	sadd.s32 s3, s2  }
0x8d: {  	s2 =	sadd.s32 s2, s17  }
0x8e: {  	[smem:$0x3FC6] =	sst s2  }
0x8f: {  	_ = 	snop  }
0x90: {  	s2 =	sld [smem:$0x3FC9]  }
0x91: {  	s18 =	sld [smem:$0x3FC8];
	(tm) =	ssettm $0x1  }
0x92: {  	s4 =	sld [smem:$0x3FFB];
	_ =	sdelay $0x3  }
0x93: {  	_ =	strace s4  }
0x94: {  	s4 =	sld [smem:$0x3FFC];
	_ =	sdelay $0x3  }
0x95: {  	_ =	strace s4  }
0x96: {  	s4 =	sld [smem:$0x3FFD];
	_ =	sdelay $0x3  }
0x97: {  	_ =	strace s4  }
0x98: {  	_ =	strace $0x8FFFFFFF  }
0x99: {  	s19 =	sld [smem:$0x3FDB];
	_ =	sdelay $0x1  }
0x9a: {  	s5 =	simm.s32 $_scs_section_size  }
0x9b: {  	s6 =	simm.s32 $_size__tile_overlayer_lowered;
	s7 =	simm.s32 $_tile_overlayer_lowered  }
0x9c: {  	s22 =	simm.s32 $0x1BFF;
	s21 =	sshll.u32 s7, $0x1;
	s4 =	sadd.s32 s5, s19  }
0x9d: {  	s8 =	simm.s32 $0x0;
	s20 =	sshll.u32 s6, $0x1;
	s6 =	sadd.s32 s21, s4  }
0x9e: {  	[timem:s8], [sflag:s22] =	dma.local [hbm:s6], s20  }
0x9f: {  	_ =	swait.ge [sflag:s22], s20  }
0xa0: {  	s5 =	ssub.s32 $0x0, s20;
	[sflag:s22] =	ssyncset.done $0x0  }
0xa1: {  	[sflag:s22] =	ssyncadd.s32 s5;
	_ =	sdelay $0x1  }
0xa2: {  	s23 =	simm.s32 $0x1B8B  }
0xa3: {  	_ =	swait.ge [sflag:s23], $0x1  }
0xa4: {  	[sflag:s23] =	ssyncset.done $0x0  }
0xa5: {  	s25 =	simm.s32 $0x1B8E;
	s24 =	sld [smem:$0x3FFE];
	[sflag:s23] =	ssyncadd.s32 $0xFFFFFFFF  }
0xa6: {  	s26 =	simm.s32 $execute0_lowered;
	[smem:$0x3FD2] =	sst s25  }
0xa7: {  	s6 =	sshll.u32 s26, $0x1;
	_ =	strace $0x80000046;
	[dreg:$0x1] =	wrdreg $0xFFFFFFFF  }
0xa8: {  	s28 =	simm.s32 $_size_execute0_lowered;
	s4 =	sadd.s32 s4, s6;
	[dreg:$0x0] =	wrdreg $0x0  }
0xa9: {  	s6 =	sshll.u32 s28, $0x1;
	[dreg:$0x2] =	wrdreg s4  }
0xaa: {  	[dreg:$0x3] =	wrdreg s6  }
0xab: {  	[dreg:$0x4] =	wrdreg $0xC0  }
0xac: {  	_ =	task [dreg:s8], $0x5FFFF  }
0xad: {  	[dreg:$0x1] =	wrdreg $0xFFFFFFFF  }
0xae: {  	[dreg:$0x0] =	wrdreg $0x60  }
0xaf: {  	[dreg:$0x2] =	wrdreg s2  }
0xb0: {  	[dreg:$0x3] =	wrdreg s18  }
0xb1: {  	[dreg:$0x4] =	wrdreg s24  }
0xb2: {  	[dreg:$0x5] =	wrdreg $0x9  }
0xb3: {  	_ =	task.clear_ibuf [dreg:s8], $0x6FFFF;
	_ =	strace $0x90000046  }
0xb4: {  	s29 =	simm.s32 $0x9;
	_ =	strace $0x80000048  }
0xb5: {  	_ =	swait.ge [sflag:s29], $0x1  }
0xb6: {  	[sflag:s29] =	ssyncadd.s32 $0xFFFFFFFF  }
0xb7: {  	_ =	strace $0x90000048  }
0xb8: {  	_ =	sfence  }
0xb9: {  	s30 =	sld [smem:$0x0];
	_ =	sdelay $0x2  }
0xba: {  	s31 =	sshll.u32 s1, $0xD;
	s1 =	sshrl.u32 s1, $0x2  }
0xbb: {  	s3 =	sand.u32 $0x4000, s31;
	s1 =	sadd.s32 s1, s30  }
0xbc: {  	s0 =	sor.u32 s3, s0;
	s1 =	sshll.u32 s1, $0x11  }
0xbd: {  	s0 =	sor.u32 s1, s0  }
0xbe: {  	s0 =	sadd.s32 $0x8F2B, s0  }
0xbf: {  	[sflag:s0] =	ssyncadd.remote.s32 $0x1  }
0xc0: {  	_ =	sfence.sel $0xFFFF  }
0xc1: {  	[dreg:$0x0] =	wrdreg $0xFFFFFFFF;
	(pc) =	sbr.abs _section_cstart, $3  }
0xc2: {  	[dreg:$0x1] =	wrdreg $0xFFFFFFFF  }
0xc3: {  	_ =	task.clear_ibuf [dreg:s8], $0x2FFFF;
	_ =	strace $0x9FFFFFFF  }
0xc4: {  	(tm) =	ssettm $0x7FFFFFFF  }
0xc5: {  	_ =	shalt  }
tec
execute0_lowered:
.L_overlay_start_1:
0x0: {  	(tag) =	ssettag $0x1  }
0x1: {  	s1 =	rddreg [dreg:$0x0]  }
0x2: {  	s2 =	rddreg [dreg:$0x1]  }
0x3: {  	s5 =	rddreg [dreg:$0x2]  }
0x4: {  	s3 =	srdreg.scid;
	s0 =	rddreg [dreg:$0x3];
	s4 =	simm.s32 $0x0  }
0x5: {  	s10 =	simm.s32 $0x0;
	s6 =	sand.u32 $0x1, s3;
	s3 =	stileid.u32  }
0x6: {  	[smem:$0x7FF] =	sst s4;
	s5 =	sadd.s32 $0x400, s5;
	s7 =	ssub.s32 $0x2, s6  }
0x7: {  	s9 =	sshll.u32 s3, $0x1;
	_ =	strace $0x80000047;
	s8 =	sshrl.u32 s7, $0x1  }
0x8: {  	s6 =	sor.u32 s6, s9;
	s9 =	simm.s32 $0x8000;
	s7 =	ssub.s32 s7, s8  }
0x9: {  	s6 =	smul.u32 $0x78000, s6;
	s8 =	simm.s32 $0x1;
	s7 =	smax.u32 s7, $0x1  }
.LBB2_1:
0xa: {  	s11 =	simm.s32 $0x0  }
.LBB2_2:
0xb: {  	s12 =	sshll.u32 s11, $0xF  }
0xc: {  	s12 =	sadd.s32 s6, s12  }
0xd: {  	s12 =	sshrl.u32 s12, $0x3  }
0xe: {  	s14 =	simm.s32 $0x0;
	s13 =	sadd.s32 s1, s12  }
0xf: {  	[tilespmem:s14], [sflag:$0x1] =	stream.linear.gather [hbm4b:s13+s14], $0x8000, $0x38;
	[tilespmem:$0x10000] =	vst v63  }
0x10: {  	_ =	swait.ge [sflag:s8], $0x8000  }
0x11: {  	[sflag:s8] =	ssyncset.done $0x0  }
0x12: {  	s17 =	sadd.s32 s2, s12;
	[sflag:s8] =	ssyncadd.s32 $0xFFFF8000  }
0x13: {  	[tilespmem:s9], [sflag:$0x1] =	stream.linear.gather [hbm4b:s17+s14], $0x8000, $0x38;
	[tilespmem:$0x10000] =	vst v63  }
0x14: {  	_ =	swait.ge [sflag:s8], $0x8000  }
0x15: {  	s18 =	sand.u32 $0x7800, s14;
	s14 =	sand.u32 $0x300, s14;
	[sflag:s8] =	ssyncset.done $0x0  }
0x16: {  	s16 =	sor.u32 s14, s18;
	[sflag:s8] =	ssyncadd.s32 $0xFFFF8000  }
0x17: {  	v0 =	vld [tilespmem:s16+$0x8000]  }
0x18: {  	v1 =	vld [tilespmem:s16+$0x8010];
	_ =	sdelay $0x3  }
0x19: {  	s13 =	sor.u32 $0x10, s16;
	[tilespmem:s16+$0x0] =	vst.add.f32.msk $0xffff, v0  }
0x1a: {  	[tilespmem:s13+$0x0] =	vst.add.f32.msk $0xffff, v1  }
0x1b: {  	v0 =	vld [tilespmem:s16+$0x8020];
	_ =	sdelay $0x3  }
0x1c: {  	s19 =	sor.u32 $0x20, s16  }
0x1d: {  	[tilespmem:s19+$0x0] =	vst.add.f32.msk $0xffff, v0  }
0x1e: {  	v0 =	vld [tilespmem:s16+$0x8030];
	_ =	sdelay $0x3  }
0x1f: {  	s20 =	sor.u32 $0x30, s16  }
0x20: {  	[tilespmem:s20+$0x0] =	vst.add.f32.msk $0xffff, v0  }
0x21: {  	v0 =	vld [tilespmem:s16+$0x8040];
	_ =	sdelay $0x3  }
0x22: {  	s21 =	sor.u32 $0x40, s16  }
0x23: {  	[tilespmem:s21+$0x0] =	vst.add.f32.msk $0xffff, v0  }
0x24: {  	v0 =	vld [tilespmem:s16+$0x8050];
	_ =	sdelay $0x3  }
0x25: {  	s22 =	sor.u32 $0x50, s16  }
0x26: {  	[tilespmem:s22+$0x0] =	vst.add.f32.msk $0xffff, v0  }
0x27: {  	v0 =	vld [tilespmem:s16+$0x8060];
	_ =	sdelay $0x3  }
0x28: {  	s23 =	sor.u32 $0x60, s16  }
0x29: {  	[tilespmem:s23+$0x0] =	vst.add.f32.msk $0xffff, v0  }
0x2a: {  	v0 =	vld [tilespmem:s16+$0x8070];
	_ =	sdelay $0x3  }
0x2b: {  	s24 =	sor.u32 $0x70, s16  }
0x2c: {  	[tilespmem:s24+$0x0] =	vst.add.f32.msk $0xffff, v0  }
0x2d: {  	v0 =	vld [tilespmem:s16+$0x8400];
	_ =	sdelay $0x3  }
0x2e: {  	s25 =	sor.u32 $0x400, s16  }
0x2f: {  	[tilespmem:s25+$0x0] =	vst.add.f32.msk $0xffff, v0  }
0x30: {  	v0 =	vld [tilespmem:s16+$0x8410];
	_ =	sdelay $0x3  }
0x31: {  	s26 =	sor.u32 $0x410, s16  }
0x32: {  	[tilespmem:s26+$0x0] =	vst.add.f32.msk $0xffff, v0  }
0x33: {  	v0 =	vld [tilespmem:s16+$0x8420];
	_ =	sdelay $0x3  }
0x34: {  	s28 =	sor.u32 $0x420, s16  }
0x35: {  	[tilespmem:s28+$0x0] =	vst.add.f32.msk $0xffff, v0  }
0x36: {  	v0 =	vld [tilespmem:s16+$0x8430];
	_ =	sdelay $0x3  }
0x37: {  	s29 =	sor.u32 $0x430, s16  }
0x38: {  	[tilespmem:s29+$0x0] =	vst.add.f32.msk $0xffff, v0  }
0x39: {  	v0 =	vld [tilespmem:s16+$0x8440];
	_ =	sdelay $0x3  }
0x3a: {  	s30 =	sor.u32 $0x440, s16  }
0x3b: {  	[tilespmem:s30+$0x0] =	vst.add.f32.msk $0xffff, v0  }
0x3c: {  	v0 =	vld [tilespmem:s16+$0x8450];
	_ =	sdelay $0x3  }
0x3d: {  	s31 =	sor.u32 $0x450, s16  }
0x3e: {  	[tilespmem:s31+$0x0] =	vst.add.f32.msk $0xffff, v0  }
0x3f: {  	v0 =	vld [tilespmem:s16+$0x8460];
	_ =	sdelay $0x3  }
0x40: {  	s14 =	sor.u32 $0x460, s16  }
0x41: {  	[tilespmem:s14+$0x0] =	vst.add.f32.msk $0xffff, v0  }
0x42: {  	v0 =	vld [tilespmem:s16+$0x8470];
	_ =	sdelay $0x3  }
0x43: {  	s15 =	sor.u32 $0x470, s16  }
0x44: {  	[tilespmem:s15+$0x0] =	vst.add.f32.msk $0xffff, v0  }
0x45: {  	v0 =	vld [tilespmem:s16+$0x8080];
	_ =	sdelay $0x3  }
0x46: {  	s17 =	sor.u32 $0x80, s16  }
0x47: {  	[tilespmem:s17+$0x0] =	vst.add.f32.msk $0xffff, v0  }
0x48: {  	v0 =	vld [tilespmem:s16+$0x8090];
	_ =	sdelay $0x3  }
0x49: {  	s18 =	sor.u32 $0x90, s16  }
0x4a: {  	[tilespmem:s18+$0x0] =	vst.add.f32.msk $0xffff, v0  }
0x4b: {  	v0 =	vld [tilespmem:s16+$0x80A0];
	_ =	sdelay $0x3  }
0x4c: {  	s19 =	sor.u32 $0xA0, s16  }
0x4d: {  	[tilespmem:s19+$0x0] =	vst.add.f32.msk $0xffff, v0  }
0x4e: {  	v0 =	vld [tilespmem:s16+$0x80B0];
	_ =	sdelay $0x3  }
0x4f: {  	s20 =	sor.u32 $0xB0, s16  }
0x50: {  	[tilespmem:s20+$0x0] =	vst.add.f32.msk $0xffff, v0  }
0x51: {  	v0 =	vld [tilespmem:s16+$0x80C0];
	_ =	sdelay $0x3  }
0x52: {  	s21 =	sor.u32 $0xC0, s16  }
0x53: {  	[tilespmem:s21+$0x0] =	vst.add.f32.msk $0xffff, v0  }
0x54: {  	v0 =	vld [tilespmem:s16+$0x80D0];
	_ =	sdelay $0x3  }
0x55: {  	s22 =	sor.u32 $0xD0, s16  }
0x56: {  	[tilespmem:s22+$0x0] =	vst.add.f32.msk $0xffff, v0  }
0x57: {  	v0 =	vld [tilespmem:s16+$0x80E0];
	_ =	sdelay $0x3  }
0x58: {  	s23 =	sor.u32 $0xE0, s16  }
0x59: {  	[tilespmem:s23+$0x0] =	vst.add.f32.msk $0xffff, v0  }
0x5a: {  	v0 =	vld [tilespmem:s16+$0x80F0];
	_ =	sdelay $0x3  }
0x5b: {  	s24 =	sor.u32 $0xF0, s16  }
0x5c: {  	[tilespmem:s24+$0x0] =	vst.add.f32.msk $0xffff, v0  }
0x5d: {  	v0 =	vld [tilespmem:s16+$0x8480];
	_ =	sdelay $0x3  }
0x5e: {  	s25 =	sor.u32 $0x480, s16  }
0x5f: {  	[tilespmem:s25+$0x0] =	vst.add.f32.msk $0xffff, v0  }
0x60: {  	v0 =	vld [tilespmem:s16+$0x8490];
	_ =	sdelay $0x3  }
0x61: {  	s26 =	sor.u32 $0x490, s16  }
0x62: {  	[tilespmem:s26+$0x0] =	vst.add.f32.msk $0xffff, v0  }
0x63: {  	v0 =	vld [tilespmem:s16+$0x84A0];
	_ =	sdelay $0x3  }
0x64: {  	s28 =	sor.u32 $0x4A0, s16  }
0x65: {  	[tilespmem:s28+$0x0] =	vst.add.f32.msk $0xffff, v0  }
0x66: {  	v0 =	vld [tilespmem:s16+$0x84B0];
	_ =	sdelay $0x3  }
0x67: {  	s29 =	sor.u32 $0x4B0, s16  }
0x68: {  	[tilespmem:s29+$0x0] =	vst.add.f32.msk $0xffff, v0  }
0x69: {  	v0 =	vld [tilespmem:s16+$0x84C0];
	_ =	sdelay $0x3  }
0x6a: {  	s30 =	sor.u32 $0x4C0, s16  }
0x6b: {  	[tilespmem:s30+$0x0] =	vst.add.f32.msk $0xffff, v0  }
0x6c: {  	v0 =	vld [tilespmem:s16+$0x84D0];
	_ =	sdelay $0x3  }
0x6d: {  	s31 =	sor.u32 $0x4D0, s16  }
0x6e: {  	[tilespmem:s31+$0x0] =	vst.add.f32.msk $0xffff, v0  }
0x6f: {  	v0 =	vld [tilespmem:s16+$0x84E0];
	_ =	sdelay $0x3  }
0x70: {  	s14 =	sor.u32 $0x4E0, s16  }
0x71: {  	[tilespmem:s14+$0x0] =	vst.add.f32.msk $0xffff, v0  }
0x72: {  	v0 =	vld [tilespmem:s16+$0x84F0];
	_ =	sdelay $0x2  }
0x73: {  	s13 =	simm.s32 $0x2;
	s15 =	simm.s32 $0x200;
	s14 =	simm.s32 $0x100  }
0x74: {  	s17 =	sand.u32 $0x7800, s15;
	s19 =	sor.u32 $0x4F0, s16;
	s18 =	sand.u32 $0x300, s14  }
.LBB2_3:
0x75: {  	s13 =	sadd.s32 $0x2, s13;
	s16 =	sor.u32 s18, s17;
	[tilespmem:s19+$0x0] =	vst.add.f32.msk $0xffff, v0  }
0x76: {  	v0 =	vld [tilespmem:s16+$0x8000];
	s23 =	sor.u32 $0x10, s16;
	s24 =	sor.u32 $0x20, s16;
	s25 =	sor.u32 $0x40, s16  }
0x77: {  	s26 =	sor.u32 $0x50, s16;
	s28 =	sor.u32 $0x60, s16;
	s22 =	sor.u32 $0x410, s16;
	v1 =	vld [tilespmem:s16+$0x8010]  }
0x78: {  	s21 =	sor.u32 $0x420, s16;
	s20 =	sor.u32 $0x430, s16;
	s19 =	sor.u32 $0x440, s16  }
0x79: {  	p0 =	slt.u32 s13, $0x7E;
	s18 =	sor.u32 $0x450, s16;
	s17 =	sor.u32 $0x460, s16  }
0x7a: {  	_ = 	snop  }
0x7b: {  	[tilespmem:s16+$0x0] =	vst.add.f32.msk $0xffff, v0  }
0x7c: {  	[tilespmem:s23+$0x0] =	vst.add.f32.msk $0xffff, v1  }
0x7d: {  	v0 =	vld [tilespmem:s16+$0x8020];
	_ =	sdelay $0x4  }
0x7e: {  	[tilespmem:s24+$0x0] =	vst.add.f32.msk $0xffff, v0  }
0x7f: {  	v0 =	vld [tilespmem:s16+$0x8030];
	_ =	sdelay $0x3  }
0x80: {  	s23 =	sor.u32 $0x30, s16  }
0x81: {  	[tilespmem:s23+$0x0] =	vst.add.f32.msk $0xffff, v0  }
0x82: {  	v0 =	vld [tilespmem:s16+$0x8040];
	_ =	sdelay $0x4  }
0x83: {  	[tilespmem:s25+$0x0] =	vst.add.f32.msk $0xffff, v0  }
0x84: {  	v0 =	vld [tilespmem:s16+$0x8050];
	_ =	sdelay $0x4  }
0x85: {  	[tilespmem:s26+$0x0] =	vst.add.f32.msk $0xffff, v0  }
0x86: {  	v0 =	vld [tilespmem:s16+$0x8060];
	_ =	sdelay $0x4  }
0x87: {  	[tilespmem:s28+$0x0] =	vst.add.f32.msk $0xffff, v0  }
0x88: {  	v0 =	vld [tilespmem:s16+$0x8070];
	_ =	sdelay $0x3  }
0x89: {  	s23 =	sor.u32 $0x70, s16  }
0x8a: {  	[tilespmem:s23+$0x0] =	vst.add.f32.msk $0xffff, v0  }
0x8b: {  	v0 =	vld [tilespmem:s16+$0x8400];
	_ =	sdelay $0x3  }
0x8c: {  	s23 =	sor.u32 $0x400, s16  }
0x8d: {  	[tilespmem:s23+$0x0] =	vst.add.f32.msk $0xffff, v0  }
0x8e: {  	v0 =	vld [tilespmem:s16+$0x8410];
	_ =	sdelay $0x4  }
0x8f: {  	[tilespmem:s22+$0x0] =	vst.add.f32.msk $0xffff, v0  }
0x90: {  	v0 =	vld [tilespmem:s16+$0x8420];
	_ =	sdelay $0x4  }
0x91: {  	[tilespmem:s21+$0x0] =	vst.add.f32.msk $0xffff, v0  }
0x92: {  	v0 =	vld [tilespmem:s16+$0x8430];
	_ =	sdelay $0x4  }
0x93: {  	[tilespmem:s20+$0x0] =	vst.add.f32.msk $0xffff, v0  }
0x94: {  	v0 =	vld [tilespmem:s16+$0x8440];
	_ =	sdelay $0x4  }
0x95: {  	[tilespmem:s19+$0x0] =	vst.add.f32.msk $0xffff, v0  }
0x96: {  	v0 =	vld [tilespmem:s16+$0x8450];
	_ =	sdelay $0x4  }
0x97: {  	[tilespmem:s18+$0x0] =	vst.add.f32.msk $0xffff, v0  }
0x98: {  	v0 =	vld [tilespmem:s16+$0x8460];
	_ =	sdelay $0x4  }
0x99: {  	[tilespmem:s17+$0x0] =	vst.add.f32.msk $0xffff, v0  }
0x9a: {  	v0 =	vld [tilespmem:s16+$0x8470];
	_ =	sdelay $0x3  }
0x9b: {  	s17 =	sor.u32 $0x470, s16  }
0x9c: {  	[tilespmem:s17+$0x0] =	vst.add.f32.msk $0xffff, v0  }
0x9d: {  	v0 =	vld [tilespmem:s16+$0x8080];
	_ =	sdelay $0x3  }
0x9e: {  	s17 =	sor.u32 $0x80, s16  }
0x9f: {  	[tilespmem:s17+$0x0] =	vst.add.f32.msk $0xffff, v0  }
0xa0: {  	v0 =	vld [tilespmem:s16+$0x8090];
	_ =	sdelay $0x3  }
0xa1: {  	s17 =	sor.u32 $0x90, s16  }
0xa2: {  	[tilespmem:s17+$0x0] =	vst.add.f32.msk $0xffff, v0  }
0xa3: {  	v0 =	vld [tilespmem:s16+$0x80A0];
	_ =	sdelay $0x3  }
0xa4: {  	s17 =	sor.u32 $0xA0, s16  }
0xa5: {  	[tilespmem:s17+$0x0] =	vst.add.f32.msk $0xffff, v0  }
0xa6: {  	v0 =	vld [tilespmem:s16+$0x80B0];
	_ =	sdelay $0x3  }
0xa7: {  	s17 =	sor.u32 $0xB0, s16  }
0xa8: {  	[tilespmem:s17+$0x0] =	vst.add.f32.msk $0xffff, v0  }
0xa9: {  	v0 =	vld [tilespmem:s16+$0x80C0];
	_ =	sdelay $0x3  }
0xaa: {  	s17 =	sor.u32 $0xC0, s16  }
0xab: {  	[tilespmem:s17+$0x0] =	vst.add.f32.msk $0xffff, v0  }
0xac: {  	v0 =	vld [tilespmem:s16+$0x80D0];
	_ =	sdelay $0x3  }
0xad: {  	s17 =	sor.u32 $0xD0, s16  }
0xae: {  	[tilespmem:s17+$0x0] =	vst.add.f32.msk $0xffff, v0  }
0xaf: {  	v0 =	vld [tilespmem:s16+$0x80E0];
	_ =	sdelay $0x3  }
0xb0: {  	s17 =	sor.u32 $0xE0, s16  }
0xb1: {  	[tilespmem:s17+$0x0] =	vst.add.f32.msk $0xffff, v0  }
0xb2: {  	v0 =	vld [tilespmem:s16+$0x80F0];
	_ =	sdelay $0x3  }
0xb3: {  	s17 =	sor.u32 $0xF0, s16  }
0xb4: {  	[tilespmem:s17+$0x0] =	vst.add.f32.msk $0xffff, v0  }
0xb5: {  	v0 =	vld [tilespmem:s16+$0x8480];
	_ =	sdelay $0x3  }
0xb6: {  	s17 =	sor.u32 $0x480, s16  }
0xb7: {  	[tilespmem:s17+$0x0] =	vst.add.f32.msk $0xffff, v0  }
0xb8: {  	v0 =	vld [tilespmem:s16+$0x8490];
	_ =	sdelay $0x3  }
0xb9: {  	s17 =	sor.u32 $0x490, s16  }
0xba: {  	[tilespmem:s17+$0x0] =	vst.add.f32.msk $0xffff, v0  }
0xbb: {  	v0 =	vld [tilespmem:s16+$0x84A0];
	_ =	sdelay $0x3  }
0xbc: {  	s17 =	sor.u32 $0x4A0, s16  }
0xbd: {  	[tilespmem:s17+$0x0] =	vst.add.f32.msk $0xffff, v0  }
0xbe: {  	v0 =	vld [tilespmem:s16+$0x84B0];
	_ =	sdelay $0x3  }
0xbf: {  	s17 =	sor.u32 $0x4B0, s16  }
0xc0: {  	[tilespmem:s17+$0x0] =	vst.add.f32.msk $0xffff, v0  }
0xc1: {  	v0 =	vld [tilespmem:s16+$0x84C0];
	_ =	sdelay $0x3  }
0xc2: {  	s17 =	sor.u32 $0x4C0, s16  }
0xc3: {  	[tilespmem:s17+$0x0] =	vst.add.f32.msk $0xffff, v0  }
0xc4: {  	v0 =	vld [tilespmem:s16+$0x84D0];
	_ =	sdelay $0x3  }
0xc5: {  	s17 =	sor.u32 $0x4D0, s16  }
0xc6: {  	[tilespmem:s17+$0x0] =	vst.add.f32.msk $0xffff, v0  }
0xc7: {  	v0 =	vld [tilespmem:s16+$0x84E0];
	_ =	sdelay $0x3  }
0xc8: {  	s17 =	sor.u32 $0x4E0, s16  }
0xc9: {  	[tilespmem:s17+$0x0] =	vst.add.f32.msk $0xffff, v0  }
.Ltmp0:
0xca: {  	v0 =	vld [tilespmem:s16+$0x84F0];
	(pc) =	sbr.rel @p0 .LBB2_3-.Ltmp0, $3  }
0xcb: {  	_ =	sdelay $0x1  }
0xcc: {  	s14 =	sadd.s32 $0x100, s14;
	s15 =	sadd.s32 $0x200, s15  }
0xcd: {  	s19 =	sor.u32 $0x4F0, s16;
	s18 =	sand.u32 $0x300, s14;
	s17 =	sand.u32 $0x7800, s15  }
0xce: {  	s13 =	sor.u32 s18, s17;
	[tilespmem:s19+$0x0] =	vst.add.f32.msk $0xffff, v0  }
0xcf: {  	v0 =	vld [tilespmem:s13+$0x8000]  }
0xd0: {  	v1 =	vld [tilespmem:s13+$0x8010];
	_ =	sdelay $0x3  }
0xd1: {  	s14 =	sor.u32 $0x10, s13;
	[tilespmem:s13+$0x0] =	vst.add.f32.msk $0xffff, v0  }
0xd2: {  	[tilespmem:s14+$0x0] =	vst.add.f32.msk $0xffff, v1  }
0xd3: {  	v63 =	vld [tilespmem:s13+$0x8020];
	_ =	sdelay $0x3  }
0xd4: {  	s18 =	sor.u32 $0x20, s13  }
0xd5: {  	[tilespmem:s18+$0x0] =	vst.add.f32.msk $0xffff, v63  }
0xd6: {  	v0 =	vld [tilespmem:s13+$0x8030];
	_ =	sdelay $0x3  }
0xd7: {  	s19 =	sor.u32 $0x30, s13  }
0xd8: {  	[tilespmem:s19+$0x0] =	vst.add.f32.msk $0xffff, v0  }
0xd9: {  	v0 =	vld [tilespmem:s13+$0x8040];
	_ =	sdelay $0x3  }
0xda: {  	s20 =	sor.u32 $0x40, s13  }
0xdb: {  	[tilespmem:s20+$0x0] =	vst.add.f32.msk $0xffff, v0  }
0xdc: {  	v0 =	vld [tilespmem:s13+$0x8050];
	_ =	sdelay $0x3  }
0xdd: {  	s21 =	sor.u32 $0x50, s13  }
0xde: {  	[tilespmem:s21+$0x0] =	vst.add.f32.msk $0xffff, v0  }
0xdf: {  	v0 =	vld [tilespmem:s13+$0x8060];
	_ =	sdelay $0x3  }
0xe0: {  	s22 =	sor.u32 $0x60, s13  }
0xe1: {  	[tilespmem:s22+$0x0] =	vst.add.f32.msk $0xffff, v0  }
0xe2: {  	v0 =	vld [tilespmem:s13+$0x8070];
	_ =	sdelay $0x3  }
0xe3: {  	s23 =	sor.u32 $0x70, s13  }
0xe4: {  	[tilespmem:s23+$0x0] =	vst.add.f32.msk $0xffff, v0  }
0xe5: {  	v0 =	vld [tilespmem:s13+$0x8400];
	_ =	sdelay $0x3  }
0xe6: {  	s24 =	sor.u32 $0x400, s13  }
0xe7: {  	[tilespmem:s24+$0x0] =	vst.add.f32.msk $0xffff, v0  }
0xe8: {  	v0 =	vld [tilespmem:s13+$0x8410];
	_ =	sdelay $0x3  }
0xe9: {  	s25 =	sor.u32 $0x410, s13  }
0xea: {  	[tilespmem:s25+$0x0] =	vst.add.f32.msk $0xffff, v0  }
0xeb: {  	v0 =	vld [tilespmem:s13+$0x8420];
	_ =	sdelay $0x3  }
0xec: {  	s26 =	sor.u32 $0x420, s13  }
0xed: {  	[tilespmem:s26+$0x0] =	vst.add.f32.msk $0xffff, v0  }
0xee: {  	v0 =	vld [tilespmem:s13+$0x8430];
	_ =	sdelay $0x3  }
0xef: {  	s28 =	sor.u32 $0x430, s13  }
0xf0: {  	[tilespmem:s28+$0x0] =	vst.add.f32.msk $0xffff, v0  }
0xf1: {  	v0 =	vld [tilespmem:s13+$0x8440];
	_ =	sdelay $0x3  }
0xf2: {  	s29 =	sor.u32 $0x440, s13  }
0xf3: {  	[tilespmem:s29+$0x0] =	vst.add.f32.msk $0xffff, v0  }
0xf4: {  	v0 =	vld [tilespmem:s13+$0x8450];
	_ =	sdelay $0x3  }
0xf5: {  	s30 =	sor.u32 $0x450, s13  }
0xf6: {  	[tilespmem:s30+$0x0] =	vst.add.f32.msk $0xffff, v0  }
0xf7: {  	v0 =	vld [tilespmem:s13+$0x8460];
	_ =	sdelay $0x3  }
0xf8: {  	s31 =	sor.u32 $0x460, s13  }
0xf9: {  	[tilespmem:s31+$0x0] =	vst.add.f32.msk $0xffff, v0  }
0xfa: {  	v0 =	vld [tilespmem:s13+$0x8470];
	_ =	sdelay $0x3  }
0xfb: {  	s15 =	sor.u32 $0x470, s13  }
0xfc: {  	[tilespmem:s15+$0x0] =	vst.add.f32.msk $0xffff, v0  }
0xfd: {  	v0 =	vld [tilespmem:s13+$0x8080];
	_ =	sdelay $0x3  }
0xfe: {  	s16 =	sor.u32 $0x80, s13  }
0xff: {  	[tilespmem:s16+$0x0] =	vst.add.f32.msk $0xffff, v0  }
0x100: {  	v0 =	vld [tilespmem:s13+$0x8090];
	_ =	sdelay $0x3  }
0x101: {  	s17 =	sor.u32 $0x90, s13  }
0x102: {  	[tilespmem:s17+$0x0] =	vst.add.f32.msk $0xffff, v0  }
0x103: {  	v0 =	vld [tilespmem:s13+$0x80A0];
	_ =	sdelay $0x3  }
0x104: {  	s18 =	sor.u32 $0xA0, s13  }
0x105: {  	[tilespmem:s18+$0x0] =	vst.add.f32.msk $0xffff, v0  }
0x106: {  	v0 =	vld [tilespmem:s13+$0x80B0];
	_ =	sdelay $0x3  }
0x107: {  	s19 =	sor.u32 $0xB0, s13  }
0x108: {  	[tilespmem:s19+$0x0] =	vst.add.f32.msk $0xffff, v0  }
0x109: {  	v0 =	vld [tilespmem:s13+$0x80C0];
	_ =	sdelay $0x3  }
0x10a: {  	s20 =	sor.u32 $0xC0, s13  }
0x10b: {  	[tilespmem:s20+$0x0] =	vst.add.f32.msk $0xffff, v0  }
0x10c: {  	v0 =	vld [tilespmem:s13+$0x80D0];
	_ =	sdelay $0x3  }
0x10d: {  	s21 =	sor.u32 $0xD0, s13  }
0x10e: {  	[tilespmem:s21+$0x0] =	vst.add.f32.msk $0xffff, v0  }
0x10f: {  	v0 =	vld [tilespmem:s13+$0x80E0];
	_ =	sdelay $0x3  }
0x110: {  	s22 =	sor.u32 $0xE0, s13  }
0x111: {  	[tilespmem:s22+$0x0] =	vst.add.f32.msk $0xffff, v0  }
0x112: {  	v0 =	vld [tilespmem:s13+$0x80F0];
	_ =	sdelay $0x3  }
0x113: {  	s23 =	sor.u32 $0xF0, s13  }
0x114: {  	[tilespmem:s23+$0x0] =	vst.add.f32.msk $0xffff, v0  }
0x115: {  	v0 =	vld [tilespmem:s13+$0x8480];
	_ =	sdelay $0x3  }
0x116: {  	s24 =	sor.u32 $0x480, s13  }
0x117: {  	[tilespmem:s24+$0x0] =	vst.add.f32.msk $0xffff, v0  }
0x118: {  	v0 =	vld [tilespmem:s13+$0x8490];
	_ =	sdelay $0x3  }
0x119: {  	s25 =	sor.u32 $0x490, s13  }
0x11a: {  	[tilespmem:s25+$0x0] =	vst.add.f32.msk $0xffff, v0  }
0x11b: {  	v0 =	vld [tilespmem:s13+$0x84A0];
	_ =	sdelay $0x3  }
0x11c: {  	s26 =	sor.u32 $0x4A0, s13  }
0x11d: {  	[tilespmem:s26+$0x0] =	vst.add.f32.msk $0xffff, v0  }
0x11e: {  	v0 =	vld [tilespmem:s13+$0x84B0];
	_ =	sdelay $0x3  }
0x11f: {  	s28 =	sor.u32 $0x4B0, s13  }
0x120: {  	[tilespmem:s28+$0x0] =	vst.add.f32.msk $0xffff, v0  }
0x121: {  	v0 =	vld [tilespmem:s13+$0x84C0];
	_ =	sdelay $0x3  }
0x122: {  	s29 =	sor.u32 $0x4C0, s13  }
0x123: {  	[tilespmem:s29+$0x0] =	vst.add.f32.msk $0xffff, v0  }
0x124: {  	v0 =	vld [tilespmem:s13+$0x84D0];
	_ =	sdelay $0x3  }
0x125: {  	s30 =	sor.u32 $0x4D0, s13  }
0x126: {  	[tilespmem:s30+$0x0] =	vst.add.f32.msk $0xffff, v0  }
0x127: {  	v0 =	vld [tilespmem:s13+$0x84E0];
	_ =	sdelay $0x3  }
0x128: {  	s31 =	sor.u32 $0x4E0, s13  }
0x129: {  	[tilespmem:s31+$0x0] =	vst.add.f32.msk $0xffff, v0  }
0x12a: {  	v0 =	vld [tilespmem:s13+$0x84F0];
	_ =	sdelay $0x2  }
0x12b: {  	s11 =	sadd.s32 $0x1, s11  }
0x12c: {  	p0 =	sne.s32 s11, $0xF;
	s13 =	sor.u32 $0x4F0, s13  }
.Ltmp1:
0x12d: {  	s12 =	sadd.s32 s5, s12;
	[tilespmem:s13+$0x0] =	vst.add.f32.msk $0xffff, v0;
	(pc) =	sbr.rel @p0 .LBB2_2-.Ltmp1, $4  }
0x12e: {  	[hbm4b:s12+s4] =	stream.linear.scatter [tilespmem:s4], [sflag:$0x1], $0x8000, $0x38;
	[tilespmem:$0x10000] =	vst v63  }
0x12f: {  	_ =	swait.ge [sflag:s8], $0x8000  }
0x130: {  	[sflag:s8] =	ssyncset.done $0x0  }
0x131: {  	[sflag:s8] =	ssyncadd.s32 $0xFFFF8000  }
0x132: {  	s10 =	sadd.s32 $0x1, s10  }
0x133: {  	p0 =	sne.s32 s10, s7  }
.Ltmp2:
0x134: {  	_ = 	snop;
	(pc) =	sbr.rel @p0 .LBB2_1-.Ltmp2, $1  }
0x135: {  	_ =	sdelay $0x3  }
0x136: {  	_ =	sfence.sel $0x180000  }
0x137: {  	[bflag:$0x0] =	sbarrier.arrive $0xFFFF  }
0x138: {  	p0 =	sne.s32 s3, $0x0;
	_ =	strace $0x90000047  }
0x139: {  	s0 =	sadd.s32 @!p0 $0x100000, s0;
	[bflag:$0x2] =	sbarrier.arrive $0xFFFF  }
0x13a: {  	[sflag:s0] =	ssyncadd.tile.s32 @!p0 $0x1;
	_ =	shalt  }
.Lfunc_end2:
_tile_overlayer_lowered:
.L_overlay_start_2:
0x13b: {  	(tag) =	ssettag $0x2  }
0x13c: {  	s0 =	rddreg [dreg:$0x0];
	s2 =	stileid.u32  }
0x13d: {  	s1 =	rddreg [dreg:$0x1];
	p0 =	sne.s32 s2, $0x0  }
0x13e: {  	s3 =	rddreg [dreg:$0x2];
	[bflag:$0x3] =	sbarrier.arrive $0xFFFF;
	s2 =	simm.s32 @!p0 $0x1C01  }
0x13f: {  	[timem:s3], [sflag:s2] =	dma.local @!p0 [hbm:s0], s1  }
0x140: {  	s0 =	simm.s32 @!p0 $0x1  }
0x141: {  	_ =	swait.ge @!p0 [sflag:s0], s1  }
0x142: {  	s1 =	ssub.s32 @!p0 $0x0, s1;
	[sflag:s0] =	ssyncset.done @!p0 $0x0  }
0x143: {  	[sflag:s0] =	ssyncadd.s32 @!p0 s1  }
0x144: {  	[bflag:$0x3] =	sbarrier.arrive $0xFFFF  }
0x145: {  	_ =	shalt  }

</sc_bundles>
